<compile_context>
chip_gen: v7x
topology: tpu7x:2x2x1
jax: 0.10.2.dev20260603
libtpu: 0.0.44.dev20260713+nightly
codegen_flags: <defaults>
</compile_context>

<pallas_src>
import jax
import jax.numpy as jnp
from jax import lax
from jax.experimental import pallas as pl
from jax.experimental.pallas import tpu as pltpu
from jax.experimental.pallas import tpu_sc as plsc

N = 1024
DEG = 16
E = N * DEG
EDGES = N * (DEG + 1)
B = 8
OUT = 128

NCORES = 2
NSUB = 16
SUB_PER_B = 4
NODES_W = N // SUB_PER_B
EDGES_W = NODES_W * (DEG + 1)
VECS_W = EDGES_W // 16


def _gat_body(x_hbm, w_hbm, a_hbm, src_hbm, dst_hbm, out_hbm,
              nodes_v, w_v, a_v, src_v, dst_v, t_v, s_v, out_v,
              stage_v, allred_v, redsum_hbm, sem):
    c = lax.axis_index("c")
    s_id = lax.axis_index("s")
    wid = c * NSUB + s_id
    b = c * (B // NCORES) + s_id // SUB_PER_B
    chunk = s_id % SUB_PER_B
    i0 = chunk * NODES_W
    e0 = i0 * (DEG + 1)

    cps = [pltpu.async_copy(x_hbm.at[b, pl.ds(E, N)], nodes_v, sem),
           pltpu.async_copy(w_hbm, w_v, sem),
           pltpu.async_copy(a_hbm, a_v, sem),
           pltpu.async_copy(src_hbm.at[pl.ds(e0, EDGES_W)], src_v, sem),
           pltpu.async_copy(dst_hbm.at[pl.ds(e0, EDGES_W)], dst_v, sem)]
    for cp in cps:
        cp.wait()

    acc1 = jnp.zeros((16,), jnp.float32)
    acc2 = jnp.zeros((16,), jnp.float32)
    for j in range(OUT // 16):
        wc = w_v[pl.ds(16 * j, 16)]
        acc1 = acc1 + wc * a_v[pl.ds(16 * j, 16)]
        acc2 = acc2 + wc * a_v[pl.ds(OUT + 16 * j, 16)]
    c1 = jnp.sum(acc1)
    c2 = jnp.sum(acc2)

    @plsc.parallel_loop(0, EDGES_W, step=16, unroll=4,
                        carry=jnp.zeros((16,), jnp.float32))
    def ssum(e, acc):
        sl = pl.ds(e, 16)
        g = plsc.load_gather(nodes_v, [dst_v[sl]])
        gs = plsc.load_gather(nodes_v, [src_v[sl]])
        raw = c1 * gs + c2 * g
        p = jnp.exp(jnp.maximum(raw, 0.01 * raw))
        t_v[sl] = p * g
        return acc + p

    stage_v[...] = ssum
    pltpu.sync_copy(stage_v, redsum_hbm.at[wid])

    iota = lax.iota(jnp.int32, 16)

    @plsc.parallel_loop(0, NODES_W, step=16, unroll=2)
    def _pc(base):
        eb = (base + iota) * (DEG + 1)
        acc = jnp.zeros((16,), jnp.float32)
        for j in range(DEG + 1):
            acc = acc + plsc.load_gather(t_v, [eb + j])
        s_v[pl.ds(base, 16)] = acc

    plsc.subcore_barrier()
    g0 = c * NSUB + (s_id // SUB_PER_B) * SUB_PER_B
    pltpu.sync_copy(redsum_hbm.at[pl.ds(g0, SUB_PER_B)], allred_v)
    svec = (allred_v[0, :] + allred_v[1, :]
            + allred_v[2, :] + allred_v[3, :])
    denom16 = lax.broadcast_in_dim(jnp.sum(svec), (16,), ())
    inv = jnp.ones((16,), jnp.float32) / denom16

    w_chunks = [w_v[pl.ds(16 * j, 16)] * inv for j in range(OUT // 16)]
    zero16 = jnp.zeros((16,), jnp.int32)

    def pass_d(i):
        si = plsc.load_gather(s_v, [zero16 + i])
        for j in range(OUT // 16):
            o = si * w_chunks[j]
            out_v[i, pl.ds(16 * j, 16)] = jnp.maximum(o, 0.01 * o)

    plsc.parallel_loop(0, NODES_W // 2, step=1, unroll=2)(pass_d)
    cp0 = pltpu.async_copy(out_v.at[pl.ds(0, NODES_W // 2)],
                           out_hbm.at[b, pl.ds(i0, NODES_W // 2)], sem)
    plsc.parallel_loop(NODES_W // 2, NODES_W, step=1, unroll=2)(pass_d)
    cp1 = pltpu.async_copy(out_v.at[pl.ds(NODES_W // 2, NODES_W // 2)],
                           out_hbm.at[b, pl.ds(i0 + NODES_W // 2,
                                               NODES_W // 2)], sem)
    cp0.wait()
    cp1.wait()


@jax.jit
def _gat_sc(x, w, a, src_idx, dst_idx):
    mesh = plsc.VectorSubcoreMesh(core_axis_name="c", subcore_axis_name="s",
                                  num_cores=NCORES, num_subcores=NSUB)
    f = pl.kernel(
        _gat_body,
        out_type=jax.ShapeDtypeStruct((B, N, OUT), jnp.float32),
        mesh=mesh,
        compiler_params=pltpu.CompilerParams(needs_layout_passes=False),
        scratch_types=[
            pltpu.VMEM((N,), jnp.float32),
            pltpu.VMEM((OUT,), jnp.float32),
            pltpu.VMEM((2 * OUT,), jnp.float32),
            pltpu.VMEM((EDGES_W,), jnp.int32),
            pltpu.VMEM((EDGES_W,), jnp.int32),
            pltpu.VMEM((EDGES_W,), jnp.float32),
            pltpu.VMEM((NODES_W,), jnp.float32),
            pltpu.VMEM((NODES_W, OUT), jnp.float32),
            pltpu.VMEM((16,), jnp.float32),
            pltpu.VMEM((SUB_PER_B, 16), jnp.float32),
            pltpu.HBM((NCORES * NSUB, 16), jnp.float32),
            pltpu.SemaphoreType.DMA,
        ],
    )
    return f(x, w, a, src_idx, dst_idx)


def kernel(x, W, a, src_idx, dst_idx):
    return _gat_sc(x, W.reshape(OUT), a.reshape(2 * OUT),
                   src_idx, dst_idx)

# --- scband reference (transcript-rebuilt; emitter-appended) ---
"""Pipeline reference for scband-graph-attention-77154792505514 (READ-ONLY COPY).

The authoritative reference and input builder live on the scoring server;
editing this copy changes nothing except your own understanding.
"""

import jax, jax.numpy as jnp
import numpy as np

N = 1024
DEG = 16
E = N * DEG
B = 8
OUT = 128


def _build_edges():
    # Deterministic ring-lattice adjacency: node i -> (i+1..i+DEG) mod N, no self loops.
    rows = np.repeat(np.arange(N), DEG)
    cols = (rows + np.tile(np.arange(1, DEG + 1), N)) % N
    adj = np.zeros((N, N), dtype=np.float32)
    adj[rows, cols] = 1.0
    adj_full = adj + np.eye(N, dtype=np.float32)  # module adds identity
    src, dst = np.where(adj_full == 1.0)  # row-major order, same as torch.where
    return jnp.asarray(src, dtype=jnp.int32), jnp.asarray(dst, dtype=jnp.int32)


def setup_inputs(seed: int = 0) -> dict:
    key = jax.random.key(seed)
    k1, k2, k3 = jax.random.split(key, 3)
    x = jax.random.normal(k1, (B, E + N), dtype=jnp.float32)
    W = jax.random.normal(k2, (1, OUT), dtype=jnp.float32) * 0.1   # in_node_features=1
    a = jax.random.normal(k3, (2 * OUT, 1), dtype=jnp.float32) * 0.1
    src_idx, dst_idx = _build_edges()
    return {"x": x, "W": W, "a": a, "src_idx": src_idx, "dst_idx": dst_idx}


def reference(x, W, a, src_idx, dst_idx):
    nodes = x[:, E:][..., None]                 # [B, N, 1]
    h = jnp.matmul(nodes, W)                    # [B, N, OUT]
    h_src = h[:, src_idx]                       # [B, E', OUT] gather
    h_dst = h[:, dst_idx]                       # [B, E', OUT] gather
    alpha = jnp.concatenate((h_src, h_dst), axis=2)   # [B, E', 2*OUT]
    alpha = jnp.matmul(alpha, a)[..., 0]        # [B, E']
    alpha = jax.nn.leaky_relu(alpha, negative_slope=0.01)
    alpha = jax.nn.softmax(alpha, axis=1)       # softmax over all edges (dim=1 in torch)
    adj_scaled = jnp.zeros((x.shape[0], N, N), dtype=jnp.float32).at[:, src_idx, dst_idx].set(alpha)
    h_prime = jnp.matmul(adj_scaled, h)         # [B, N, OUT]
    return jax.nn.leaky_relu(h_prime, negative_slope=0.01)

if __name__ == "__main__":
    import jax
    _d = setup_inputs()
    print(jax.jit(kernel)(*tuple(_d.values())))

</pallas_src>

<mosaic_0001>
#map = affine_map<(d0, d1) -> (0, 0)>
#map1 = affine_map<(d0, d1) -> (0)>
#map2 = affine_map<(d0, d1) -> (0, 0, 0)>
module attributes {stable_mosaic.version = 14 : i64} {
  func.func @_gat_body(%arg0: i32, %arg1: i32, %arg2: memref<8x17408xf32, #tpu.memory_space<hbm>>, %arg3: memref<128xf32, #tpu.memory_space<hbm>>, %arg4: memref<256xf32, #tpu.memory_space<hbm>>, %arg5: memref<17408xi32, #tpu.memory_space<hbm>>, %arg6: memref<17408xi32, #tpu.memory_space<hbm>>, %arg7: memref<8x1024x128xf32, #tpu.memory_space<hbm>>, %arg8: memref<1024xf32, #tpu.memory_space<vmem>>, %arg9: memref<128xf32, #tpu.memory_space<vmem>>, %arg10: memref<256xf32, #tpu.memory_space<vmem>>, %arg11: memref<4352xi32, #tpu.memory_space<vmem>>, %arg12: memref<4352xi32, #tpu.memory_space<vmem>>, %arg13: memref<4352xf32, #tpu.memory_space<vmem>>, %arg14: memref<256xf32, #tpu.memory_space<vmem>>, %arg15: memref<256x128xf32, #tpu.memory_space<vmem>>, %arg16: memref<16xf32, #tpu.memory_space<vmem>>, %arg17: memref<4x16xf32, #tpu.memory_space<vmem>>, %arg18: memref<32x16xf32, #tpu.memory_space<hbm>>, %arg19: memref<!tpu.dma_semaphore, #tpu.memory_space<semaphore_mem>>) attributes {dimension_semantics = [#tpu.dimension_semantics<core_parallel>, #tpu.dimension_semantics<subcore_parallel>], iteration_bounds = array<i64: 2, 16>, scalar_prefetch = 0 : i64, scratch_operands = 12 : i64, tpu.core_type = #tpu.core_type<sc_vector_subcore>, window_params = [{transform_indices = #map}, {transform_indices = #map1}, {transform_indices = #map1}, {transform_indices = #map1}, {transform_indices = #map1}, {transform_indices = #map2}]} {
    %mul3A = arith.constant 16 : i32
    %mul3A_0 = arith.muli %arg0, %mul3A : i32
    %add3A = arith.addi %mul3A_0, %arg1 : i32
    %mul3A_1 = arith.constant 4 : i32
    %mul3A_2 = arith.muli %arg0, %mul3A_1 : i32
    %jit3A = arith.constant 4 : i32
    %div3A = arith.divsi %arg1, %jit3A : i32
    %sign3A = arith.constant 0 : i32
    %sign3A_3 = arith.cmpi sgt, %arg1, %sign3A : i32
    %sign3A_4 = arith.extui %sign3A_3 : i1 to i32
    %sign3A_5 = arith.constant 0 : i32
    %sign3A_6 = arith.cmpi slt, %arg1, %sign3A_5 : i32
    %sign3A_7 = arith.extui %sign3A_6 : i1 to i32
    %sign3A_8 = arith.subi %sign3A_4, %sign3A_7 : i32
    %sign3A_9 = arith.constant 0 : i32
    %sign3A_10 = arith.cmpi sgt, %jit3A, %sign3A_9 : i32
    %sign3A_11 = arith.extui %sign3A_10 : i1 to i32
    %sign3A_12 = arith.constant 0 : i32
    %sign3A_13 = arith.cmpi slt, %jit3A, %sign3A_12 : i32
    %sign3A_14 = arith.extui %sign3A_13 : i1 to i32
    %sign3A_15 = arith.subi %sign3A_11, %sign3A_14 : i32
    %ne3A = arith.cmpi ne, %sign3A_8, %sign3A_15 : i32
    %rem3A = arith.remsi %arg1, %jit3A : i32
    %ne3A_16 = arith.constant 0 : i32
    %ne3A_17 = arith.cmpi ne, %rem3A, %ne3A_16 : i32
    %and3A = arith.andi %ne3A, %ne3A_17 : i1
    %sub3A = arith.constant 1 : i32
    %sub3A_18 = arith.subi %div3A, %sub3A : i32
    %select_n3A = arith.select %and3A, %sub3A_18, %div3A : i32
    %add3A_19 = arith.addi %mul3A_2, %select_n3A : i32
    %jit3A_20 = arith.constant 4 : i32
    %eq3A = arith.constant 0 : i32
    %eq3A_21 = arith.cmpi eq, %jit3A_20, %eq3A : i32
    %jit3A_22 = arith.constant 1 : i32
    %select_n3A_23 = arith.select %eq3A_21, %jit3A_22, %jit3A_20 : i32
    %rem3A_24 = arith.remsi %arg1, %select_n3A_23 : i32
    %ne3A_25 = arith.constant 0 : i32
    %ne3A_26 = arith.cmpi ne, %rem3A_24, %ne3A_25 : i32
    %lt3A = arith.constant 0 : i32
    %lt3A_27 = arith.cmpi slt, %rem3A_24, %lt3A : i32
    %lt3A_28 = arith.constant 0 : i32
    %lt3A_29 = arith.cmpi slt, %select_n3A_23, %lt3A_28 : i32
    %ne3A_30 = arith.xori %lt3A_27, %lt3A_29 : i1
    %and3A_31 = arith.andi %ne3A_30, %ne3A_26 : i1
    %add3A_32 = arith.addi %rem3A_24, %select_n3A_23 : i32
    %select_n3A_33 = arith.select %and3A_31, %add3A_32, %rem3A_24 : i32
    %mul3A_34 = arith.constant 256 : i32
    %mul3A_35 = arith.muli %select_n3A_33, %mul3A_34 : i32
    %mul3A_36 = arith.constant 17 : i32
    %mul3A_37 = arith.muli %mul3A_35, %mul3A_36 : i32
    %dma_start3A = arith.constant 16384 : i32
    %dma_start3A_38 = tpu.memref_slice %arg2[%add3A_19, %dma_start3A] : memref<8x17408xf32, #tpu.memory_space<hbm>> -> memref<1x1024xf32, #tpu.memory_space<hbm>>
    %dma_start3A_39 = tpu.memref_squeeze %dma_start3A_38 : memref<1x1024xf32, #tpu.memory_space<hbm>> -> memref<1024xf32, #tpu.memory_space<hbm>>
    %dma_start3A_40 = arith.constant 16384 : i32
    %dma_start3A_41 = tpu.memref_slice %arg2[%add3A_19, %dma_start3A_40] : memref<8x17408xf32, #tpu.memory_space<hbm>> -> memref<1x1024xf32, #tpu.memory_space<hbm>>
    %dma_start3A_42 = tpu.memref_squeeze %dma_start3A_41 : memref<1x1024xf32, #tpu.memory_space<hbm>> -> memref<1024xf32, #tpu.memory_space<hbm>>
    tpu.enqueue_dma source(%dma_start3A_42 : memref<1024xf32, #tpu.memory_space<hbm>>) target(%arg8 : memref<1024xf32, #tpu.memory_space<vmem>>) target_semaphore(%arg19 : memref<!tpu.dma_semaphore, #tpu.memory_space<semaphore_mem>>)
    tpu.enqueue_dma source(%arg3 : memref<128xf32, #tpu.memory_space<hbm>>) target(%arg9 : memref<128xf32, #tpu.memory_space<vmem>>) target_semaphore(%arg19 : memref<!tpu.dma_semaphore, #tpu.memory_space<semaphore_mem>>)
    tpu.enqueue_dma source(%arg4 : memref<256xf32, #tpu.memory_space<hbm>>) target(%arg10 : memref<256xf32, #tpu.memory_space<vmem>>) target_semaphore(%arg19 : memref<!tpu.dma_semaphore, #tpu.memory_space<semaphore_mem>>)
    %dma_start3A_43 = tpu.memref_slice %arg5[%mul3A_37] : memref<17408xi32, #tpu.memory_space<hbm>> -> memref<4352xi32, #tpu.memory_space<hbm>>
    %dma_start3A_44 = tpu.memref_slice %arg5[%mul3A_37] : memref<17408xi32, #tpu.memory_space<hbm>> -> memref<4352xi32, #tpu.memory_space<hbm>>
    tpu.enqueue_dma source(%dma_start3A_44 : memref<4352xi32, #tpu.memory_space<hbm>>) target(%arg11 : memref<4352xi32, #tpu.memory_space<vmem>>) target_semaphore(%arg19 : memref<!tpu.dma_semaphore, #tpu.memory_space<semaphore_mem>>)
    %dma_start3A_45 = tpu.memref_slice %arg6[%mul3A_37] : memref<17408xi32, #tpu.memory_space<hbm>> -> memref<4352xi32, #tpu.memory_space<hbm>>
    %dma_start3A_46 = tpu.memref_slice %arg6[%mul3A_37] : memref<17408xi32, #tpu.memory_space<hbm>> -> memref<4352xi32, #tpu.memory_space<hbm>>
    tpu.enqueue_dma source(%dma_start3A_46 : memref<4352xi32, #tpu.memory_space<hbm>>) target(%arg12 : memref<4352xi32, #tpu.memory_space<vmem>>) target_semaphore(%arg19 : memref<!tpu.dma_semaphore, #tpu.memory_space<semaphore_mem>>)
    %dma_wait3A = arith.constant 16384 : i32
    %dma_wait3A_47 = tpu.memref_slice %arg2[%add3A_19, %dma_wait3A] : memref<8x17408xf32, #tpu.memory_space<hbm>> -> memref<1x1024xf32, #tpu.memory_space<hbm>>
    %dma_wait3A_48 = tpu.memref_squeeze %dma_wait3A_47 : memref<1x1024xf32, #tpu.memory_space<hbm>> -> memref<1024xf32, #tpu.memory_space<hbm>>
    %dma_wait3A_49 = arith.constant 16384 : i32
    %dma_wait3A_50 = tpu.memref_slice %arg2[%add3A_19, %dma_wait3A_49] : memref<8x17408xf32, #tpu.memory_space<hbm>> -> memref<1x1024xf32, #tpu.memory_space<hbm>>
    %dma_wait3A_51 = tpu.memref_squeeze %dma_wait3A_50 : memref<1x1024xf32, #tpu.memory_space<hbm>> -> memref<1024xf32, #tpu.memory_space<hbm>>
    tpu.wait_dma2 semaphore(%arg19 : memref<!tpu.dma_semaphore, #tpu.memory_space<semaphore_mem>>) src(%dma_wait3A_51 : memref<1024xf32, #tpu.memory_space<hbm>>) dst(%arg8 : memref<1024xf32, #tpu.memory_space<vmem>>)
    tpu.wait_dma2 semaphore(%arg19 : memref<!tpu.dma_semaphore, #tpu.memory_space<semaphore_mem>>) src(%arg3 : memref<128xf32, #tpu.memory_space<hbm>>) dst(%arg9 : memref<128xf32, #tpu.memory_space<vmem>>)
    tpu.wait_dma2 semaphore(%arg19 : memref<!tpu.dma_semaphore, #tpu.memory_space<semaphore_mem>>) src(%arg4 : memref<256xf32, #tpu.memory_space<hbm>>) dst(%arg10 : memref<256xf32, #tpu.memory_space<vmem>>)
    %dma_wait3A_52 = tpu.memref_slice %arg5[%mul3A_37] : memref<17408xi32, #tpu.memory_space<hbm>> -> memref<4352xi32, #tpu.memory_space<hbm>>
    %dma_wait3A_53 = tpu.memref_slice %arg5[%mul3A_37] : memref<17408xi32, #tpu.memory_space<hbm>> -> memref<4352xi32, #tpu.memory_space<hbm>>
    tpu.wait_dma2 semaphore(%arg19 : memref<!tpu.dma_semaphore, #tpu.memory_space<semaphore_mem>>) src(%dma_wait3A_53 : memref<4352xi32, #tpu.memory_space<hbm>>) dst(%arg11 : memref<4352xi32, #tpu.memory_space<vmem>>)
    %dma_wait3A_54 = tpu.memref_slice %arg6[%mul3A_37] : memref<17408xi32, #tpu.memory_space<hbm>> -> memref<4352xi32, #tpu.memory_space<hbm>>
    %dma_wait3A_55 = tpu.memref_slice %arg6[%mul3A_37] : memref<17408xi32, #tpu.memory_space<hbm>> -> memref<4352xi32, #tpu.memory_space<hbm>>
    tpu.wait_dma2 semaphore(%arg19 : memref<!tpu.dma_semaphore, #tpu.memory_space<semaphore_mem>>) src(%dma_wait3A_55 : memref<4352xi32, #tpu.memory_space<hbm>>) dst(%arg12 : memref<4352xi32, #tpu.memory_space<vmem>>)
    %broadcast_in_dim3A = arith.constant 0.000000e+00 : f32
    %broadcast_in_dim3A_56 = vector.broadcast %broadcast_in_dim3A : f32 to vector<16xf32>
    %broadcast_in_dim3A_57 = arith.constant 0.000000e+00 : f32
    %broadcast_in_dim3A_58 = vector.broadcast %broadcast_in_dim3A_57 : f32 to vector<16xf32>
    %get3A = arith.constant 0 : index
    %get3A_59 = tpu.vector_load %arg9[%get3A] {strides = array<i32>} : memref<128xf32, #tpu.memory_space<vmem>>, vector<16xf32>,
    %get3A_60 = arith.constant 0 : index
    %get3A_61 = tpu.vector_load %arg10[%get3A_60] {strides = array<i32>} : memref<256xf32, #tpu.memory_space<vmem>>, vector<16xf32>,
    %mul3A_62 = arith.mulf %get3A_59, %get3A_61 : vector<16xf32>
    %add3A_63 = arith.addf %broadcast_in_dim3A_56, %mul3A_62 : vector<16xf32>
    %get3A_64 = arith.constant 128 : index
    %get3A_65 = tpu.vector_load %arg10[%get3A_64] {strides = array<i32>} : memref<256xf32, #tpu.memory_space<vmem>>, vector<16xf32>,
    %mul3A_66 = arith.mulf %get3A_59, %get3A_65 : vector<16xf32>
    %add3A_67 = arith.addf %broadcast_in_dim3A_58, %mul3A_66 : vector<16xf32>
    %get3A_68 = arith.constant 16 : index
    %get3A_69 = tpu.vector_load %arg9[%get3A_68] {strides = array<i32>} : memref<128xf32, #tpu.memory_space<vmem>>, vector<16xf32>,
    %get3A_70 = arith.constant 16 : index
    %get3A_71 = tpu.vector_load %arg10[%get3A_70] {strides = array<i32>} : memref<256xf32, #tpu.memory_space<vmem>>, vector<16xf32>,
    %mul3A_72 = arith.mulf %get3A_69, %get3A_71 : vector<16xf32>
    %add3A_73 = arith.addf %add3A_63, %mul3A_72 : vector<16xf32>
    %get3A_74 = arith.constant 144 : index
    %get3A_75 = tpu.vector_load %arg10[%get3A_74] {strides = array<i32>} : memref<256xf32, #tpu.memory_space<vmem>>, vector<16xf32>,
    %mul3A_76 = arith.mulf %get3A_69, %get3A_75 : vector<16xf32>
    %add3A_77 = arith.addf %add3A_67, %mul3A_76 : vector<16xf32>
    %get3A_78 = arith.constant 32 : index
    %get3A_79 = tpu.vector_load %arg9[%get3A_78] {strides = array<i32>} : memref<128xf32, #tpu.memory_space<vmem>>, vector<16xf32>,
    %get3A_80 = arith.constant 32 : index
    %get3A_81 = tpu.vector_load %arg10[%get3A_80] {strides = array<i32>} : memref<256xf32, #tpu.memory_space<vmem>>, vector<16xf32>,
    %mul3A_82 = arith.mulf %get3A_79, %get3A_81 : vector<16xf32>
    %add3A_83 = arith.addf %add3A_73, %mul3A_82 : vector<16xf32>
    %get3A_84 = arith.constant 160 : index
    %get3A_85 = tpu.vector_load %arg10[%get3A_84] {strides = array<i32>} : memref<256xf32, #tpu.memory_space<vmem>>, vector<16xf32>,
    %mul3A_86 = arith.mulf %get3A_79, %get3A_85 : vector<16xf32>
    %add3A_87 = arith.addf %add3A_77, %mul3A_86 : vector<16xf32>
    %get3A_88 = arith.constant 48 : index
    %get3A_89 = tpu.vector_load %arg9[%get3A_88] {strides = array<i32>} : memref<128xf32, #tpu.memory_space<vmem>>, vector<16xf32>,
    %get3A_90 = arith.constant 48 : index
    %get3A_91 = tpu.vector_load %arg10[%get3A_90] {strides = array<i32>} : memref<256xf32, #tpu.memory_space<vmem>>, vector<16xf32>,
    %mul3A_92 = arith.mulf %get3A_89, %get3A_91 : vector<16xf32>
    %add3A_93 = arith.addf %add3A_83, %mul3A_92 : vector<16xf32>
    %get3A_94 = arith.constant 176 : index
    %get3A_95 = tpu.vector_load %arg10[%get3A_94] {strides = array<i32>} : memref<256xf32, #tpu.memory_space<vmem>>, vector<16xf32>,
    %mul3A_96 = arith.mulf %get3A_89, %get3A_95 : vector<16xf32>
    %add3A_97 = arith.addf %add3A_87, %mul3A_96 : vector<16xf32>
    %get3A_98 = arith.constant 64 : index
    %get3A_99 = tpu.vector_load %arg9[%get3A_98] {strides = array<i32>} : memref<128xf32, #tpu.memory_space<vmem>>, vector<16xf32>,
    %get3A_100 = arith.constant 64 : index
    %get3A_101 = tpu.vector_load %arg10[%get3A_100] {strides = array<i32>} : memref<256xf32, #tpu.memory_space<vmem>>, vector<16xf32>,
    %mul3A_102 = arith.mulf %get3A_99, %get3A_101 : vector<16xf32>
    %add3A_103 = arith.addf %add3A_93, %mul3A_102 : vector<16xf32>
    %get3A_104 = arith.constant 192 : index
    %get3A_105 = tpu.vector_load %arg10[%get3A_104] {strides = array<i32>} : memref<256xf32, #tpu.memory_space<vmem>>, vector<16xf32>,
    %mul3A_106 = arith.mulf %get3A_99, %get3A_105 : vector<16xf32>
    %add3A_107 = arith.addf %add3A_97, %mul3A_106 : vector<16xf32>
    %get3A_108 = arith.constant 80 : index
    %get3A_109 = tpu.vector_load %arg9[%get3A_108] {strides = array<i32>} : memref<128xf32, #tpu.memory_space<vmem>>, vector<16xf32>,
    %get3A_110 = arith.constant 80 : index
    %get3A_111 = tpu.vector_load %arg10[%get3A_110] {strides = array<i32>} : memref<256xf32, #tpu.memory_space<vmem>>, vector<16xf32>,
    %mul3A_112 = arith.mulf %get3A_109, %get3A_111 : vector<16xf32>
    %add3A_113 = arith.addf %add3A_103, %mul3A_112 : vector<16xf32>
    %get3A_114 = arith.constant 208 : index
    %get3A_115 = tpu.vector_load %arg10[%get3A_114] {strides = array<i32>} : memref<256xf32, #tpu.memory_space<vmem>>, vector<16xf32>,
    %mul3A_116 = arith.mulf %get3A_109, %get3A_115 : vector<16xf32>
    %add3A_117 = arith.addf %add3A_107, %mul3A_116 : vector<16xf32>
    %get3A_118 = arith.constant 96 : index
    %get3A_119 = tpu.vector_load %arg9[%get3A_118] {strides = array<i32>} : memref<128xf32, #tpu.memory_space<vmem>>, vector<16xf32>,
    %get3A_120 = arith.constant 96 : index
    %get3A_121 = tpu.vector_load %arg10[%get3A_120] {strides = array<i32>} : memref<256xf32, #tpu.memory_space<vmem>>, vector<16xf32>,
    %mul3A_122 = arith.mulf %get3A_119, %get3A_121 : vector<16xf32>
    %add3A_123 = arith.addf %add3A_113, %mul3A_122 : vector<16xf32>
    %get3A_124 = arith.constant 224 : index
    %get3A_125 = tpu.vector_load %arg10[%get3A_124] {strides = array<i32>} : memref<256xf32, #tpu.memory_space<vmem>>, vector<16xf32>,
    %mul3A_126 = arith.mulf %get3A_119, %get3A_125 : vector<16xf32>
    %add3A_127 = arith.addf %add3A_117, %mul3A_126 : vector<16xf32>
    %get3A_128 = arith.constant 112 : index
    %get3A_129 = tpu.vector_load %arg9[%get3A_128] {strides = array<i32>} : memref<128xf32, #tpu.memory_space<vmem>>, vector<16xf32>,
    %get3A_130 = arith.constant 112 : index
    %get3A_131 = tpu.vector_load %arg10[%get3A_130] {strides = array<i32>} : memref<256xf32, #tpu.memory_space<vmem>>, vector<16xf32>,
    %mul3A_132 = arith.mulf %get3A_129, %get3A_131 : vector<16xf32>
    %add3A_133 = arith.addf %add3A_123, %mul3A_132 : vector<16xf32>
    %get3A_134 = arith.constant 240 : index
    %get3A_135 = tpu.vector_load %arg10[%get3A_134] {strides = array<i32>} : memref<256xf32, #tpu.memory_space<vmem>>, vector<16xf32>,
    %mul3A_136 = arith.mulf %get3A_129, %get3A_135 : vector<16xf32>
    %add3A_137 = arith.addf %add3A_127, %mul3A_136 : vector<16xf32>
    %reduce_sum3A = arith.constant true
    %reduce_sum3A_138 = vector.broadcast %reduce_sum3A : i1 to vector<16xi1>
    %reduce_sum3A_139 = tpu.scan <sum>, %add3A_133 masked %reduce_sum3A_138 : vector<16xf32>, vector<16xi1> -> vector<16xf32>
    %reduce_sum3A_140 = vector.extract %reduce_sum3A_139[15] : f32 from vector<16xf32>
    %reduce_sum3A_141 = arith.constant true
    %reduce_sum3A_142 = vector.broadcast %reduce_sum3A_141 : i1 to vector<16xi1>
    %reduce_sum3A_143 = tpu.scan <sum>, %add3A_137 masked %reduce_sum3A_142 : vector<16xf32>, vector<16xi1> -> vector<16xf32>
    %reduce_sum3A_144 = vector.extract %reduce_sum3A_143[15] : f32 from vector<16xf32>
    %broadcast_in_dim3A_145 = arith.constant 0.000000e+00 : f32
    %broadcast_in_dim3A_146 = vector.broadcast %broadcast_in_dim3A_145 : f32 to vector<16xf32>
    %parallel_loop3A = arith.constant 0 : i32
    %parallel_loop3A_147 = arith.constant 4352 : i32
    %parallel_loop3A_148 = arith.constant 16 : i32
    %parallel_loop3A_149 = scf.for %parallel_loop3A_292 = %parallel_loop3A to %parallel_loop3A_147 step %parallel_loop3A_148 iter_args(%parallel_loop3A_293 = %broadcast_in_dim3A_146) -> (vector<16xf32>)  : i32 {
      %parallel_loop3A_294 = arith.index_cast %parallel_loop3A_292 : i32 to index
      %parallel_loop3A_295 = tpu.vector_load %arg12[%parallel_loop3A_294] {strides = array<i32>} : memref<4352xi32, #tpu.memory_space<vmem>>, vector<16xi32>,
      %parallel_loop3A_296 = tpu.vector_load_idx %arg8[%parallel_loop3A_295] : memref<1024xf32, #tpu.memory_space<vmem>>[vector<16xi32>], vector<16xf32>,
      %parallel_loop3A_297 = arith.index_cast %parallel_loop3A_292 : i32 to index
      %parallel_loop3A_298 = tpu.vector_load %arg11[%parallel_loop3A_297] {strides = array<i32>} : memref<4352xi32, #tpu.memory_space<vmem>>, vector<16xi32>,
      %parallel_loop3A_299 = tpu.vector_load_idx %arg8[%parallel_loop3A_298] : memref<1024xf32, #tpu.memory_space<vmem>>[vector<16xi32>], vector<16xf32>,
      %parallel_loop3A_300 = vector.broadcast %reduce_sum3A_140 : f32 to vector<16xf32>
      %parallel_loop3A_301 = arith.mulf %parallel_loop3A_300, %parallel_loop3A_299 : vector<16xf32>
      %parallel_loop3A_302 = vector.broadcast %reduce_sum3A_144 : f32 to vector<16xf32>
      %parallel_loop3A_303 = arith.mulf %parallel_loop3A_302, %parallel_loop3A_296 : vector<16xf32>
      %parallel_loop3A_304 = arith.addf %parallel_loop3A_301, %parallel_loop3A_303 : vector<16xf32>
      %parallel_loop3A_305 = arith.constant 0.00999999977 : f32
      %parallel_loop3A_306 = vector.broadcast %parallel_loop3A_305 : f32 to vector<16xf32>
      %parallel_loop3A_307 = arith.mulf %parallel_loop3A_306, %parallel_loop3A_304 : vector<16xf32>
      %parallel_loop3A_308 = arith.maximumf %parallel_loop3A_304, %parallel_loop3A_307 : vector<16xf32>
      %parallel_loop3A_309 = math.exp %parallel_loop3A_308 : vector<16xf32>
      %parallel_loop3A_310 = arith.mulf %parallel_loop3A_309, %parallel_loop3A_296 : vector<16xf32>
      %parallel_loop3A_311 = arith.index_cast %parallel_loop3A_292 : i32 to index
      %parallel_loop3A_312 = tpu.vector_load %arg13[%parallel_loop3A_311] {strides = array<i32>} : memref<4352xf32, #tpu.memory_space<vmem>>, vector<16xf32>,
      tpu.vector_store %arg13[%parallel_loop3A_311], %parallel_loop3A_310 {strides = array<i32>} : memref<4352xf32, #tpu.memory_space<vmem>>, vector<16xf32>,
      %parallel_loop3A_313 = arith.addf %parallel_loop3A_293, %parallel_loop3A_309 : vector<16xf32>
      scf.yield %parallel_loop3A_313 : vector<16xf32>
    } {sc.loop_unroll_factor = 4 : i64, sc.parallel_access}
    %swap3A = arith.constant 0 : index
    %swap3A_150 = tpu.vector_load %arg16[%swap3A] {strides = array<i32>} : memref<16xf32, #tpu.memory_space<vmem>>, vector<16xf32>,
    tpu.vector_store %arg16[%swap3A], %parallel_loop3A_149 {strides = array<i32>} : memref<16xf32, #tpu.memory_space<vmem>>, vector<16xf32>,
    "tpu.region"() ({
      %run_scoped3A = tpu.sem_alloc : memref<!tpu.dma_semaphore, #tpu.memory_space<semaphore_mem>>
      %dma_start3A_292 = arith.constant 0 : i32
      %dma_start3A_293 = tpu.memref_slice %arg18[%add3A, %dma_start3A_292] : memref<32x16xf32, #tpu.memory_space<hbm>> -> memref<1x16xf32, #tpu.memory_space<hbm>>
      %dma_start3A_294 = tpu.memref_squeeze %dma_start3A_293 : memref<1x16xf32, #tpu.memory_space<hbm>> -> memref<16xf32, #tpu.memory_space<hbm>>
      %dma_start3A_295 = arith.constant 0 : i32
      %dma_start3A_296 = tpu.memref_slice %arg18[%add3A, %dma_start3A_295] : memref<32x16xf32, #tpu.memory_space<hbm>> -> memref<1x16xf32, #tpu.memory_space<hbm>>
      %dma_start3A_297 = tpu.memref_squeeze %dma_start3A_296 : memref<1x16xf32, #tpu.memory_space<hbm>> -> memref<16xf32, #tpu.memory_space<hbm>>
      tpu.enqueue_dma source(%arg16 : memref<16xf32, #tpu.memory_space<vmem>>) target(%dma_start3A_297 : memref<16xf32, #tpu.memory_space<hbm>>) target_semaphore(%run_scoped3A : memref<!tpu.dma_semaphore, #tpu.memory_space<semaphore_mem>>)
      %dma_wait3A_298 = arith.constant 0 : i32
      %dma_wait3A_299 = tpu.memref_slice %arg18[%add3A, %dma_wait3A_298] : memref<32x16xf32, #tpu.memory_space<hbm>> -> memref<1x16xf32, #tpu.memory_space<hbm>>
      %dma_wait3A_300 = tpu.memref_squeeze %dma_wait3A_299 : memref<1x16xf32, #tpu.memory_space<hbm>> -> memref<16xf32, #tpu.memory_space<hbm>>
      %dma_wait3A_301 = arith.constant 0 : i32
      %dma_wait3A_302 = tpu.memref_slice %arg18[%add3A, %dma_wait3A_301] : memref<32x16xf32, #tpu.memory_space<hbm>> -> memref<1x16xf32, #tpu.memory_space<hbm>>
      %dma_wait3A_303 = tpu.memref_squeeze %dma_wait3A_302 : memref<1x16xf32, #tpu.memory_space<hbm>> -> memref<16xf32, #tpu.memory_space<hbm>>
      tpu.wait_dma2 semaphore(%run_scoped3A : memref<!tpu.dma_semaphore, #tpu.memory_space<semaphore_mem>>) src(%arg16 : memref<16xf32, #tpu.memory_space<vmem>>) dst(%dma_wait3A_303 : memref<16xf32, #tpu.memory_space<hbm>>)
      tpu.yield
    }) : () -> ()
    %iota3A = tpu.iota {dimensions = array<i32: 0>} : vector<16xi32>
    %parallel_loop3A_151 = arith.constant 0 : i32
    %parallel_loop3A_152 = arith.constant 256 : i32
    %parallel_loop3A_153 = arith.constant 16 : i32
    scf.for %parallel_loop3A_292 = %parallel_loop3A_151 to %parallel_loop3A_152 step %parallel_loop3A_153  : i32 {
      %parallel_loop3A_293 = vector.broadcast %parallel_loop3A_292 : i32 to vector<16xi32>
      %parallel_loop3A_294 = arith.addi %parallel_loop3A_293, %iota3A : vector<16xi32>
      %parallel_loop3A_295 = arith.constant 17 : i32
      %parallel_loop3A_296 = vector.broadcast %parallel_loop3A_295 : i32 to vector<16xi32>
      %parallel_loop3A_297 = arith.muli %parallel_loop3A_294, %parallel_loop3A_296 : vector<16xi32>
      %parallel_loop3A_298 = arith.constant 0.000000e+00 : f32
      %parallel_loop3A_299 = vector.broadcast %parallel_loop3A_298 : f32 to vector<16xf32>
      %parallel_loop3A_300 = arith.constant 0 : i32
      %parallel_loop3A_301 = vector.broadcast %parallel_loop3A_300 : i32 to vector<16xi32>
      %parallel_loop3A_302 = arith.addi %parallel_loop3A_297, %parallel_loop3A_301 : vector<16xi32>
      %parallel_loop3A_303 = tpu.vector_load_idx %arg13[%parallel_loop3A_302] : memref<4352xf32, #tpu.memory_space<vmem>>[vector<16xi32>], vector<16xf32>,
      %parallel_loop3A_304 = arith.addf %parallel_loop3A_299, %parallel_loop3A_303 : vector<16xf32>
      %parallel_loop3A_305 = arith.constant 1 : i32
      %parallel_loop3A_306 = vector.broadcast %parallel_loop3A_305 : i32 to vector<16xi32>
      %parallel_loop3A_307 = arith.addi %parallel_loop3A_297, %parallel_loop3A_306 : vector<16xi32>
      %parallel_loop3A_308 = tpu.vector_load_idx %arg13[%parallel_loop3A_307] : memref<4352xf32, #tpu.memory_space<vmem>>[vector<16xi32>], vector<16xf32>,
      %parallel_loop3A_309 = arith.addf %parallel_loop3A_304, %parallel_loop3A_308 : vector<16xf32>
      %parallel_loop3A_310 = arith.constant 2 : i32
      %parallel_loop3A_311 = vector.broadcast %parallel_loop3A_310 : i32 to vector<16xi32>
      %parallel_loop3A_312 = arith.addi %parallel_loop3A_297, %parallel_loop3A_311 : vector<16xi32>
      %parallel_loop3A_313 = tpu.vector_load_idx %arg13[%parallel_loop3A_312] : memref<4352xf32, #tpu.memory_space<vmem>>[vector<16xi32>], vector<16xf32>,
      %parallel_loop3A_314 = arith.addf %parallel_loop3A_309, %parallel_loop3A_313 : vector<16xf32>
      %parallel_loop3A_315 = arith.constant 3 : i32
      %parallel_loop3A_316 = vector.broadcast %parallel_loop3A_315 : i32 to vector<16xi32>
      %parallel_loop3A_317 = arith.addi %parallel_loop3A_297, %parallel_loop3A_316 : vector<16xi32>
      %parallel_loop3A_318 = tpu.vector_load_idx %arg13[%parallel_loop3A_317] : memref<4352xf32, #tpu.memory_space<vmem>>[vector<16xi32>], vector<16xf32>,
      %parallel_loop3A_319 = arith.addf %parallel_loop3A_314, %parallel_loop3A_318 : vector<16xf32>
      %parallel_loop3A_320 = arith.constant 4 : i32
      %parallel_loop3A_321 = vector.broadcast %parallel_loop3A_320 : i32 to vector<16xi32>
      %parallel_loop3A_322 = arith.addi %parallel_loop3A_297, %parallel_loop3A_321 : vector<16xi32>
      %parallel_loop3A_323 = tpu.vector_load_idx %arg13[%parallel_loop3A_322] : memref<4352xf32, #tpu.memory_space<vmem>>[vector<16xi32>], vector<16xf32>,
      %parallel_loop3A_324 = arith.addf %parallel_loop3A_319, %parallel_loop3A_323 : vector<16xf32>
      %parallel_loop3A_325 = arith.constant 5 : i32
      %parallel_loop3A_326 = vector.broadcast %parallel_loop3A_325 : i32 to vector<16xi32>
      %parallel_loop3A_327 = arith.addi %parallel_loop3A_297, %parallel_loop3A_326 : vector<16xi32>
      %parallel_loop3A_328 = tpu.vector_load_idx %arg13[%parallel_loop3A_327] : memref<4352xf32, #tpu.memory_space<vmem>>[vector<16xi32>], vector<16xf32>,
      %parallel_loop3A_329 = arith.addf %parallel_loop3A_324, %parallel_loop3A_328 : vector<16xf32>
      %parallel_loop3A_330 = arith.constant 6 : i32
      %parallel_loop3A_331 = vector.broadcast %parallel_loop3A_330 : i32 to vector<16xi32>
      %parallel_loop3A_332 = arith.addi %parallel_loop3A_297, %parallel_loop3A_331 : vector<16xi32>
      %parallel_loop3A_333 = tpu.vector_load_idx %arg13[%parallel_loop3A_332] : memref<4352xf32, #tpu.memory_space<vmem>>[vector<16xi32>], vector<16xf32>,
      %parallel_loop3A_334 = arith.addf %parallel_loop3A_329, %parallel_loop3A_333 : vector<16xf32>
      %parallel_loop3A_335 = arith.constant 7 : i32
      %parallel_loop3A_336 = vector.broadcast %parallel_loop3A_335 : i32 to vector<16xi32>
      %parallel_loop3A_337 = arith.addi %parallel_loop3A_297, %parallel_loop3A_336 : vector<16xi32>
      %parallel_loop3A_338 = tpu.vector_load_idx %arg13[%parallel_loop3A_337] : memref<4352xf32, #tpu.memory_space<vmem>>[vector<16xi32>], vector<16xf32>,
      %parallel_loop3A_339 = arith.addf %parallel_loop3A_334, %parallel_loop3A_338 : vector<16xf32>
      %parallel_loop3A_340 = arith.constant 8 : i32
      %parallel_loop3A_341 = vector.broadcast %parallel_loop3A_340 : i32 to vector<16xi32>
      %parallel_loop3A_342 = arith.addi %parallel_loop3A_297, %parallel_loop3A_341 : vector<16xi32>
      %parallel_loop3A_343 = tpu.vector_load_idx %arg13[%parallel_loop3A_342] : memref<4352xf32, #tpu.memory_space<vmem>>[vector<16xi32>], vector<16xf32>,
      %parallel_loop3A_344 = arith.addf %parallel_loop3A_339, %parallel_loop3A_343 : vector<16xf32>
      %parallel_loop3A_345 = arith.constant 9 : i32
      %parallel_loop3A_346 = vector.broadcast %parallel_loop3A_345 : i32 to vector<16xi32>
      %parallel_loop3A_347 = arith.addi %parallel_loop3A_297, %parallel_loop3A_346 : vector<16xi32>
      %parallel_loop3A_348 = tpu.vector_load_idx %arg13[%parallel_loop3A_347] : memref<4352xf32, #tpu.memory_space<vmem>>[vector<16xi32>], vector<16xf32>,
      %parallel_loop3A_349 = arith.addf %parallel_loop3A_344, %parallel_loop3A_348 : vector<16xf32>
      %parallel_loop3A_350 = arith.constant 10 : i32
      %parallel_loop3A_351 = vector.broadcast %parallel_loop3A_350 : i32 to vector<16xi32>
      %parallel_loop3A_352 = arith.addi %parallel_loop3A_297, %parallel_loop3A_351 : vector<16xi32>
      %parallel_loop3A_353 = tpu.vector_load_idx %arg13[%parallel_loop3A_352] : memref<4352xf32, #tpu.memory_space<vmem>>[vector<16xi32>], vector<16xf32>,
      %parallel_loop3A_354 = arith.addf %parallel_loop3A_349, %parallel_loop3A_353 : vector<16xf32>
      %parallel_loop3A_355 = arith.constant 11 : i32
      %parallel_loop3A_356 = vector.broadcast %parallel_loop3A_355 : i32 to vector<16xi32>
      %parallel_loop3A_357 = arith.addi %parallel_loop3A_297, %parallel_loop3A_356 : vector<16xi32>
      %parallel_loop3A_358 = tpu.vector_load_idx %arg13[%parallel_loop3A_357] : memref<4352xf32, #tpu.memory_space<vmem>>[vector<16xi32>], vector<16xf32>,
      %parallel_loop3A_359 = arith.addf %parallel_loop3A_354, %parallel_loop3A_358 : vector<16xf32>
      %parallel_loop3A_360 = arith.constant 12 : i32
      %parallel_loop3A_361 = vector.broadcast %parallel_loop3A_360 : i32 to vector<16xi32>
      %parallel_loop3A_362 = arith.addi %parallel_loop3A_297, %parallel_loop3A_361 : vector<16xi32>
      %parallel_loop3A_363 = tpu.vector_load_idx %arg13[%parallel_loop3A_362] : memref<4352xf32, #tpu.memory_space<vmem>>[vector<16xi32>], vector<16xf32>,
      %parallel_loop3A_364 = arith.addf %parallel_loop3A_359, %parallel_loop3A_363 : vector<16xf32>
      %parallel_loop3A_365 = arith.constant 13 : i32
      %parallel_loop3A_366 = vector.broadcast %parallel_loop3A_365 : i32 to vector<16xi32>
      %parallel_loop3A_367 = arith.addi %parallel_loop3A_297, %parallel_loop3A_366 : vector<16xi32>
      %parallel_loop3A_368 = tpu.vector_load_idx %arg13[%parallel_loop3A_367] : memref<4352xf32, #tpu.memory_space<vmem>>[vector<16xi32>], vector<16xf32>,
      %parallel_loop3A_369 = arith.addf %parallel_loop3A_364, %parallel_loop3A_368 : vector<16xf32>
      %parallel_loop3A_370 = arith.constant 14 : i32
      %parallel_loop3A_371 = vector.broadcast %parallel_loop3A_370 : i32 to vector<16xi32>
      %parallel_loop3A_372 = arith.addi %parallel_loop3A_297, %parallel_loop3A_371 : vector<16xi32>
      %parallel_loop3A_373 = tpu.vector_load_idx %arg13[%parallel_loop3A_372] : memref<4352xf32, #tpu.memory_space<vmem>>[vector<16xi32>], vector<16xf32>,
      %parallel_loop3A_374 = arith.addf %parallel_loop3A_369, %parallel_loop3A_373 : vector<16xf32>
      %parallel_loop3A_375 = arith.constant 15 : i32
      %parallel_loop3A_376 = vector.broadcast %parallel_loop3A_375 : i32 to vector<16xi32>
      %parallel_loop3A_377 = arith.addi %parallel_loop3A_297, %parallel_loop3A_376 : vector<16xi32>
      %parallel_loop3A_378 = tpu.vector_load_idx %arg13[%parallel_loop3A_377] : memref<4352xf32, #tpu.memory_space<vmem>>[vector<16xi32>], vector<16xf32>,
      %parallel_loop3A_379 = arith.addf %parallel_loop3A_374, %parallel_loop3A_378 : vector<16xf32>
      %parallel_loop3A_380 = arith.constant 16 : i32
      %parallel_loop3A_381 = vector.broadcast %parallel_loop3A_380 : i32 to vector<16xi32>
      %parallel_loop3A_382 = arith.addi %parallel_loop3A_297, %parallel_loop3A_381 : vector<16xi32>
      %parallel_loop3A_383 = tpu.vector_load_idx %arg13[%parallel_loop3A_382] : memref<4352xf32, #tpu.memory_space<vmem>>[vector<16xi32>], vector<16xf32>,
      %parallel_loop3A_384 = arith.addf %parallel_loop3A_379, %parallel_loop3A_383 : vector<16xf32>
      %parallel_loop3A_385 = arith.index_cast %parallel_loop3A_292 : i32 to index
      %parallel_loop3A_386 = tpu.vector_load %arg14[%parallel_loop3A_385] {strides = array<i32>} : memref<256xf32, #tpu.memory_space<vmem>>, vector<16xf32>,
      tpu.vector_store %arg14[%parallel_loop3A_385], %parallel_loop3A_384 {strides = array<i32>} : memref<256xf32, #tpu.memory_space<vmem>>, vector<16xf32>,
    } {sc.loop_unroll_factor = 2 : i64, sc.parallel_access}
    %barrier3A = arith.constant 0 : index
    tpu.barrier barrier_id(%barrier3A)
    %mul3A_154 = arith.constant 16 : i32
    %mul3A_155 = arith.muli %arg0, %mul3A_154 : i32
    %jit3A_156 = arith.constant 4 : i32
    %div3A_157 = arith.divsi %arg1, %jit3A_156 : i32
    %sign3A_158 = arith.constant 0 : i32
    %sign3A_159 = arith.cmpi sgt, %arg1, %sign3A_158 : i32
    %sign3A_160 = arith.extui %sign3A_159 : i1 to i32
    %sign3A_161 = arith.constant 0 : i32
    %sign3A_162 = arith.cmpi slt, %arg1, %sign3A_161 : i32
    %sign3A_163 = arith.extui %sign3A_162 : i1 to i32
    %sign3A_164 = arith.subi %sign3A_160, %sign3A_163 : i32
    %sign3A_165 = arith.constant 0 : i32
    %sign3A_166 = arith.cmpi sgt, %jit3A_156, %sign3A_165 : i32
    %sign3A_167 = arith.extui %sign3A_166 : i1 to i32
    %sign3A_168 = arith.constant 0 : i32
    %sign3A_169 = arith.cmpi slt, %jit3A_156, %sign3A_168 : i32
    %sign3A_170 = arith.extui %sign3A_169 : i1 to i32
    %sign3A_171 = arith.subi %sign3A_167, %sign3A_170 : i32
    %ne3A_172 = arith.cmpi ne, %sign3A_164, %sign3A_171 : i32
    %rem3A_173 = arith.remsi %arg1, %jit3A_156 : i32
    %ne3A_174 = arith.constant 0 : i32
    %ne3A_175 = arith.cmpi ne, %rem3A_173, %ne3A_174 : i32
    %and3A_176 = arith.andi %ne3A_172, %ne3A_175 : i1
    %sub3A_177 = arith.constant 1 : i32
    %sub3A_178 = arith.subi %div3A_157, %sub3A_177 : i32
    %select_n3A_179 = arith.select %and3A_176, %sub3A_178, %div3A_157 : i32
    %mul3A_180 = arith.constant 4 : i32
    %mul3A_181 = arith.muli %select_n3A_179, %mul3A_180 : i32
    %add3A_182 = arith.addi %mul3A_155, %mul3A_181 : i32
    "tpu.region"() ({
      %run_scoped3A = tpu.sem_alloc : memref<!tpu.dma_semaphore, #tpu.memory_space<semaphore_mem>>
      %dma_start3A_292 = arith.constant 0 : i32
      %dma_start3A_293 = tpu.memref_slice %arg18[%add3A_182, %dma_start3A_292] : memref<32x16xf32, #tpu.memory_space<hbm>> -> memref<4x16xf32, #tpu.memory_space<hbm>>
      %dma_start3A_294 = arith.constant 0 : i32
      %dma_start3A_295 = tpu.memref_slice %arg18[%add3A_182, %dma_start3A_294] : memref<32x16xf32, #tpu.memory_space<hbm>> -> memref<4x16xf32, #tpu.memory_space<hbm>>
      tpu.enqueue_dma source(%dma_start3A_295 : memref<4x16xf32, #tpu.memory_space<hbm>>) target(%arg17 : memref<4x16xf32, #tpu.memory_space<vmem>>) target_semaphore(%run_scoped3A : memref<!tpu.dma_semaphore, #tpu.memory_space<semaphore_mem>>)
      %dma_wait3A_296 = arith.constant 0 : i32
      %dma_wait3A_297 = tpu.memref_slice %arg18[%add3A_182, %dma_wait3A_296] : memref<32x16xf32, #tpu.memory_space<hbm>> -> memref<4x16xf32, #tpu.memory_space<hbm>>
      %dma_wait3A_298 = arith.constant 0 : i32
      %dma_wait3A_299 = tpu.memref_slice %arg18[%add3A_182, %dma_wait3A_298] : memref<32x16xf32, #tpu.memory_space<hbm>> -> memref<4x16xf32, #tpu.memory_space<hbm>>
      tpu.wait_dma2 semaphore(%run_scoped3A : memref<!tpu.dma_semaphore, #tpu.memory_space<semaphore_mem>>) src(%dma_wait3A_299 : memref<4x16xf32, #tpu.memory_space<hbm>>) dst(%arg17 : memref<4x16xf32, #tpu.memory_space<vmem>>)
      tpu.yield
    }) : () -> ()
    %get3A_183 = arith.constant 0 : i32
    %get3A_184 = arith.index_cast %get3A_183 : i32 to index
    %get3A_185 = arith.constant 0 : index
    %get3A_186 = tpu.vector_load %arg17[%get3A_184, %get3A_185] {strides = array<i32>} : memref<4x16xf32, #tpu.memory_space<vmem>>, vector<16xf32>,
    %get3A_187 = arith.constant 1 : i32
    %get3A_188 = arith.index_cast %get3A_187 : i32 to index
    %get3A_189 = arith.constant 0 : index
    %get3A_190 = tpu.vector_load %arg17[%get3A_188, %get3A_189] {strides = array<i32>} : memref<4x16xf32, #tpu.memory_space<vmem>>, vector<16xf32>,
    %add3A_191 = arith.addf %get3A_186, %get3A_190 : vector<16xf32>
    %get3A_192 = arith.constant 2 : i32
    %get3A_193 = arith.index_cast %get3A_192 : i32 to index
    %get3A_194 = arith.constant 0 : index
    %get3A_195 = tpu.vector_load %arg17[%get3A_193, %get3A_194] {strides = array<i32>} : memref<4x16xf32, #tpu.memory_space<vmem>>, vector<16xf32>,
    %add3A_196 = arith.addf %add3A_191, %get3A_195 : vector<16xf32>
    %get3A_197 = arith.constant 3 : i32
    %get3A_198 = arith.index_cast %get3A_197 : i32 to index
    %get3A_199 = arith.constant 0 : index
    %get3A_200 = tpu.vector_load %arg17[%get3A_198, %get3A_199] {strides = array<i32>} : memref<4x16xf32, #tpu.memory_space<vmem>>, vector<16xf32>,
    %add3A_201 = arith.addf %add3A_196, %get3A_200 : vector<16xf32>
    %reduce_sum3A_202 = arith.constant true
    %reduce_sum3A_203 = vector.broadcast %reduce_sum3A_202 : i1 to vector<16xi1>
    %reduce_sum3A_204 = tpu.scan <sum>, %add3A_201 masked %reduce_sum3A_203 : vector<16xf32>, vector<16xi1> -> vector<16xf32>
    %reduce_sum3A_205 = vector.extract %reduce_sum3A_204[15] : f32 from vector<16xf32>
    %broadcast_in_dim3A_206 = vector.broadcast %reduce_sum3A_205 : f32 to vector<16xf32>
    %broadcast_in_dim3A_207 = arith.constant 1.000000e+00 : f32
    %broadcast_in_dim3A_208 = vector.broadcast %broadcast_in_dim3A_207 : f32 to vector<16xf32>
    %div3A_209 = arith.divf %broadcast_in_dim3A_208, %broadcast_in_dim3A_206 : vector<16xf32>
    %get3A_210 = arith.constant 0 : index
    %get3A_211 = tpu.vector_load %arg9[%get3A_210] {strides = array<i32>} : memref<128xf32, #tpu.memory_space<vmem>>, vector<16xf32>,
    %mul3A_212 = arith.mulf %get3A_211, %div3A_209 : vector<16xf32>
    %get3A_213 = arith.constant 16 : index
    %get3A_214 = tpu.vector_load %arg9[%get3A_213] {strides = array<i32>} : memref<128xf32, #tpu.memory_space<vmem>>, vector<16xf32>,
    %mul3A_215 = arith.mulf %get3A_214, %div3A_209 : vector<16xf32>
    %get3A_216 = arith.constant 32 : index
    %get3A_217 = tpu.vector_load %arg9[%get3A_216] {strides = array<i32>} : memref<128xf32, #tpu.memory_space<vmem>>, vector<16xf32>,
    %mul3A_218 = arith.mulf %get3A_217, %div3A_209 : vector<16xf32>
    %get3A_219 = arith.constant 48 : index
    %get3A_220 = tpu.vector_load %arg9[%get3A_219] {strides = array<i32>} : memref<128xf32, #tpu.memory_space<vmem>>, vector<16xf32>,
    %mul3A_221 = arith.mulf %get3A_220, %div3A_209 : vector<16xf32>
    %get3A_222 = arith.constant 64 : index
    %get3A_223 = tpu.vector_load %arg9[%get3A_222] {strides = array<i32>} : memref<128xf32, #tpu.memory_space<vmem>>, vector<16xf32>,
    %mul3A_224 = arith.mulf %get3A_223, %div3A_209 : vector<16xf32>
    %get3A_225 = arith.constant 80 : index
    %get3A_226 = tpu.vector_load %arg9[%get3A_225] {strides = array<i32>} : memref<128xf32, #tpu.memory_space<vmem>>, vector<16xf32>,
    %mul3A_227 = arith.mulf %get3A_226, %div3A_209 : vector<16xf32>
    %get3A_228 = arith.constant 96 : index
    %get3A_229 = tpu.vector_load %arg9[%get3A_228] {strides = array<i32>} : memref<128xf32, #tpu.memory_space<vmem>>, vector<16xf32>,
    %mul3A_230 = arith.mulf %get3A_229, %div3A_209 : vector<16xf32>
    %get3A_231 = arith.constant 112 : index
    %get3A_232 = tpu.vector_load %arg9[%get3A_231] {strides = array<i32>} : memref<128xf32, #tpu.memory_space<vmem>>, vector<16xf32>,
    %mul3A_233 = arith.mulf %get3A_232, %div3A_209 : vector<16xf32>
    %broadcast_in_dim3A_234 = arith.constant 0 : i32
    %broadcast_in_dim3A_235 = vector.broadcast %broadcast_in_dim3A_234 : i32 to vector<16xi32>
    %parallel_loop3A_236 = arith.constant 0 : i32
    %parallel_loop3A_237 = arith.constant 128 : i32
    %parallel_loop3A_238 = arith.constant 1 : i32
    scf.for %parallel_loop3A_292 = %parallel_loop3A_236 to %parallel_loop3A_237 step %parallel_loop3A_238  : i32 {
      %parallel_loop3A_293 = vector.broadcast %parallel_loop3A_292 : i32 to vector<16xi32>
      %parallel_loop3A_294 = arith.addi %broadcast_in_dim3A_235, %parallel_loop3A_293 : vector<16xi32>
      %parallel_loop3A_295 = tpu.vector_load_idx %arg14[%parallel_loop3A_294] : memref<256xf32, #tpu.memory_space<vmem>>[vector<16xi32>], vector<16xf32>,
      %parallel_loop3A_296 = arith.mulf %parallel_loop3A_295, %mul3A_212 : vector<16xf32>
      %parallel_loop3A_297 = arith.constant 0.00999999977 : f32
      %parallel_loop3A_298 = vector.broadcast %parallel_loop3A_297 : f32 to vector<16xf32>
      %parallel_loop3A_299 = arith.mulf %parallel_loop3A_298, %parallel_loop3A_296 : vector<16xf32>
      %parallel_loop3A_300 = arith.maximumf %parallel_loop3A_296, %parallel_loop3A_299 : vector<16xf32>
      %parallel_loop3A_301 = arith.index_cast %parallel_loop3A_292 : i32 to index
      %parallel_loop3A_302 = arith.constant 0 : index
      %parallel_loop3A_303 = tpu.vector_load %arg15[%parallel_loop3A_301, %parallel_loop3A_302] {strides = array<i32>} : memref<256x128xf32, #tpu.memory_space<vmem>>, vector<16xf32>,
      tpu.vector_store %arg15[%parallel_loop3A_301, %parallel_loop3A_302], %parallel_loop3A_300 {strides = array<i32>} : memref<256x128xf32, #tpu.memory_space<vmem>>, vector<16xf32>,
      %parallel_loop3A_304 = arith.mulf %parallel_loop3A_295, %mul3A_215 : vector<16xf32>
      %parallel_loop3A_305 = arith.constant 0.00999999977 : f32
      %parallel_loop3A_306 = vector.broadcast %parallel_loop3A_305 : f32 to vector<16xf32>
      %parallel_loop3A_307 = arith.mulf %parallel_loop3A_306, %parallel_loop3A_304 : vector<16xf32>
      %parallel_loop3A_308 = arith.maximumf %parallel_loop3A_304, %parallel_loop3A_307 : vector<16xf32>
      %parallel_loop3A_309 = arith.index_cast %parallel_loop3A_292 : i32 to index
      %parallel_loop3A_310 = arith.constant 16 : index
      %parallel_loop3A_311 = tpu.vector_load %arg15[%parallel_loop3A_309, %parallel_loop3A_310] {strides = array<i32>} : memref<256x128xf32, #tpu.memory_space<vmem>>, vector<16xf32>,
      tpu.vector_store %arg15[%parallel_loop3A_309, %parallel_loop3A_310], %parallel_loop3A_308 {strides = array<i32>} : memref<256x128xf32, #tpu.memory_space<vmem>>, vector<16xf32>,
      %parallel_loop3A_312 = arith.mulf %parallel_loop3A_295, %mul3A_218 : vector<16xf32>
      %parallel_loop3A_313 = arith.constant 0.00999999977 : f32
      %parallel_loop3A_314 = vector.broadcast %parallel_loop3A_313 : f32 to vector<16xf32>
      %parallel_loop3A_315 = arith.mulf %parallel_loop3A_314, %parallel_loop3A_312 : vector<16xf32>
      %parallel_loop3A_316 = arith.maximumf %parallel_loop3A_312, %parallel_loop3A_315 : vector<16xf32>
      %parallel_loop3A_317 = arith.index_cast %parallel_loop3A_292 : i32 to index
      %parallel_loop3A_318 = arith.constant 32 : index
      %parallel_loop3A_319 = tpu.vector_load %arg15[%parallel_loop3A_317, %parallel_loop3A_318] {strides = array<i32>} : memref<256x128xf32, #tpu.memory_space<vmem>>, vector<16xf32>,
      tpu.vector_store %arg15[%parallel_loop3A_317, %parallel_loop3A_318], %parallel_loop3A_316 {strides = array<i32>} : memref<256x128xf32, #tpu.memory_space<vmem>>, vector<16xf32>,
      %parallel_loop3A_320 = arith.mulf %parallel_loop3A_295, %mul3A_221 : vector<16xf32>
      %parallel_loop3A_321 = arith.constant 0.00999999977 : f32
      %parallel_loop3A_322 = vector.broadcast %parallel_loop3A_321 : f32 to vector<16xf32>
      %parallel_loop3A_323 = arith.mulf %parallel_loop3A_322, %parallel_loop3A_320 : vector<16xf32>
      %parallel_loop3A_324 = arith.maximumf %parallel_loop3A_320, %parallel_loop3A_323 : vector<16xf32>
      %parallel_loop3A_325 = arith.index_cast %parallel_loop3A_292 : i32 to index
      %parallel_loop3A_326 = arith.constant 48 : index
      %parallel_loop3A_327 = tpu.vector_load %arg15[%parallel_loop3A_325, %parallel_loop3A_326] {strides = array<i32>} : memref<256x128xf32, #tpu.memory_space<vmem>>, vector<16xf32>,
      tpu.vector_store %arg15[%parallel_loop3A_325, %parallel_loop3A_326], %parallel_loop3A_324 {strides = array<i32>} : memref<256x128xf32, #tpu.memory_space<vmem>>, vector<16xf32>,
      %parallel_loop3A_328 = arith.mulf %parallel_loop3A_295, %mul3A_224 : vector<16xf32>
      %parallel_loop3A_329 = arith.constant 0.00999999977 : f32
      %parallel_loop3A_330 = vector.broadcast %parallel_loop3A_329 : f32 to vector<16xf32>
      %parallel_loop3A_331 = arith.mulf %parallel_loop3A_330, %parallel_loop3A_328 : vector<16xf32>
      %parallel_loop3A_332 = arith.maximumf %parallel_loop3A_328, %parallel_loop3A_331 : vector<16xf32>
      %parallel_loop3A_333 = arith.index_cast %parallel_loop3A_292 : i32 to index
      %parallel_loop3A_334 = arith.constant 64 : index
      %parallel_loop3A_335 = tpu.vector_load %arg15[%parallel_loop3A_333, %parallel_loop3A_334] {strides = array<i32>} : memref<256x128xf32, #tpu.memory_space<vmem>>, vector<16xf32>,
      tpu.vector_store %arg15[%parallel_loop3A_333, %parallel_loop3A_334], %parallel_loop3A_332 {strides = array<i32>} : memref<256x128xf32, #tpu.memory_space<vmem>>, vector<16xf32>,
      %parallel_loop3A_336 = arith.mulf %parallel_loop3A_295, %mul3A_227 : vector<16xf32>
      %parallel_loop3A_337 = arith.constant 0.00999999977 : f32
      %parallel_loop3A_338 = vector.broadcast %parallel_loop3A_337 : f32 to vector<16xf32>
      %parallel_loop3A_339 = arith.mulf %parallel_loop3A_338, %parallel_loop3A_336 : vector<16xf32>
      %parallel_loop3A_340 = arith.maximumf %parallel_loop3A_336, %parallel_loop3A_339 : vector<16xf32>
      %parallel_loop3A_341 = arith.index_cast %parallel_loop3A_292 : i32 to index
      %parallel_loop3A_342 = arith.constant 80 : index
      %parallel_loop3A_343 = tpu.vector_load %arg15[%parallel_loop3A_341, %parallel_loop3A_342] {strides = array<i32>} : memref<256x128xf32, #tpu.memory_space<vmem>>, vector<16xf32>,
      tpu.vector_store %arg15[%parallel_loop3A_341, %parallel_loop3A_342], %parallel_loop3A_340 {strides = array<i32>} : memref<256x128xf32, #tpu.memory_space<vmem>>, vector<16xf32>,
      %parallel_loop3A_344 = arith.mulf %parallel_loop3A_295, %mul3A_230 : vector<16xf32>
      %parallel_loop3A_345 = arith.constant 0.00999999977 : f32
      %parallel_loop3A_346 = vector.broadcast %parallel_loop3A_345 : f32 to vector<16xf32>
      %parallel_loop3A_347 = arith.mulf %parallel_loop3A_346, %parallel_loop3A_344 : vector<16xf32>
      %parallel_loop3A_348 = arith.maximumf %parallel_loop3A_344, %parallel_loop3A_347 : vector<16xf32>
      %parallel_loop3A_349 = arith.index_cast %parallel_loop3A_292 : i32 to index
      %parallel_loop3A_350 = arith.constant 96 : index
      %parallel_loop3A_351 = tpu.vector_load %arg15[%parallel_loop3A_349, %parallel_loop3A_350] {strides = array<i32>} : memref<256x128xf32, #tpu.memory_space<vmem>>, vector<16xf32>,
      tpu.vector_store %arg15[%parallel_loop3A_349, %parallel_loop3A_350], %parallel_loop3A_348 {strides = array<i32>} : memref<256x128xf32, #tpu.memory_space<vmem>>, vector<16xf32>,
      %parallel_loop3A_352 = arith.mulf %parallel_loop3A_295, %mul3A_233 : vector<16xf32>
      %parallel_loop3A_353 = arith.constant 0.00999999977 : f32
      %parallel_loop3A_354 = vector.broadcast %parallel_loop3A_353 : f32 to vector<16xf32>
      %parallel_loop3A_355 = arith.mulf %parallel_loop3A_354, %parallel_loop3A_352 : vector<16xf32>
      %parallel_loop3A_356 = arith.maximumf %parallel_loop3A_352, %parallel_loop3A_355 : vector<16xf32>
      %parallel_loop3A_357 = arith.index_cast %parallel_loop3A_292 : i32 to index
      %parallel_loop3A_358 = arith.constant 112 : index
      %parallel_loop3A_359 = tpu.vector_load %arg15[%parallel_loop3A_357, %parallel_loop3A_358] {strides = array<i32>} : memref<256x128xf32, #tpu.memory_space<vmem>>, vector<16xf32>,
      tpu.vector_store %arg15[%parallel_loop3A_357, %parallel_loop3A_358], %parallel_loop3A_356 {strides = array<i32>} : memref<256x128xf32, #tpu.memory_space<vmem>>, vector<16xf32>,
    } {sc.loop_unroll_factor = 2 : i64, sc.parallel_access}
    %dma_start3A_239 = arith.constant 0 : i32
    %dma_start3A_240 = arith.constant 0 : i32
    %dma_start3A_241 = tpu.memref_slice %arg15[%dma_start3A_239, %dma_start3A_240] : memref<256x128xf32, #tpu.memory_space<vmem>> -> memref<128x128xf32, #tpu.memory_space<vmem>>
    %dma_start3A_242 = arith.constant 0 : i32
    %dma_start3A_243 = tpu.memref_slice %arg7[%add3A_19, %mul3A_35, %dma_start3A_242] : memref<8x1024x128xf32, #tpu.memory_space<hbm>> -> memref<1x128x128xf32, #tpu.memory_space<hbm>>
    %dma_start3A_244 = tpu.memref_squeeze %dma_start3A_243 : memref<1x128x128xf32, #tpu.memory_space<hbm>> -> memref<128x128xf32, #tpu.memory_space<hbm>>
    %dma_start3A_245 = arith.constant 0 : i32
    %dma_start3A_246 = tpu.memref_slice %arg7[%add3A_19, %mul3A_35, %dma_start3A_245] : memref<8x1024x128xf32, #tpu.memory_space<hbm>> -> memref<1x128x128xf32, #tpu.memory_space<hbm>>
    %dma_start3A_247 = tpu.memref_squeeze %dma_start3A_246 : memref<1x128x128xf32, #tpu.memory_space<hbm>> -> memref<128x128xf32, #tpu.memory_space<hbm>>
    %dma_start3A_248 = arith.constant 0 : i32
    %dma_start3A_249 = arith.constant 0 : i32
    %dma_start3A_250 = tpu.memref_slice %arg15[%dma_start3A_248, %dma_start3A_249] : memref<256x128xf32, #tpu.memory_space<vmem>> -> memref<128x128xf32, #tpu.memory_space<vmem>>
    tpu.enqueue_dma source(%dma_start3A_250 : memref<128x128xf32, #tpu.memory_space<vmem>>) target(%dma_start3A_247 : memref<128x128xf32, #tpu.memory_space<hbm>>) target_semaphore(%arg19 : memref<!tpu.dma_semaphore, #tpu.memory_space<semaphore_mem>>)
    %parallel_loop3A_251 = arith.constant 128 : i32
    %parallel_loop3A_252 = arith.constant 256 : i32
    %parallel_loop3A_253 = arith.constant 1 : i32
    scf.for %parallel_loop3A_292 = %parallel_loop3A_251 to %parallel_loop3A_252 step %parallel_loop3A_253  : i32 {
      %parallel_loop3A_293 = vector.broadcast %parallel_loop3A_292 : i32 to vector<16xi32>
      %parallel_loop3A_294 = arith.addi %broadcast_in_dim3A_235, %parallel_loop3A_293 : vector<16xi32>
      %parallel_loop3A_295 = tpu.vector_load_idx %arg14[%parallel_loop3A_294] : memref<256xf32, #tpu.memory_space<vmem>>[vector<16xi32>], vector<16xf32>,
      %parallel_loop3A_296 = arith.mulf %parallel_loop3A_295, %mul3A_212 : vector<16xf32>
      %parallel_loop3A_297 = arith.constant 0.00999999977 : f32
      %parallel_loop3A_298 = vector.broadcast %parallel_loop3A_297 : f32 to vector<16xf32>
      %parallel_loop3A_299 = arith.mulf %parallel_loop3A_298, %parallel_loop3A_296 : vector<16xf32>
      %parallel_loop3A_300 = arith.maximumf %parallel_loop3A_296, %parallel_loop3A_299 : vector<16xf32>
      %parallel_loop3A_301 = arith.index_cast %parallel_loop3A_292 : i32 to index
      %parallel_loop3A_302 = arith.constant 0 : index
      %parallel_loop3A_303 = tpu.vector_load %arg15[%parallel_loop3A_301, %parallel_loop3A_302] {strides = array<i32>} : memref<256x128xf32, #tpu.memory_space<vmem>>, vector<16xf32>,
      tpu.vector_store %arg15[%parallel_loop3A_301, %parallel_loop3A_302], %parallel_loop3A_300 {strides = array<i32>} : memref<256x128xf32, #tpu.memory_space<vmem>>, vector<16xf32>,
      %parallel_loop3A_304 = arith.mulf %parallel_loop3A_295, %mul3A_215 : vector<16xf32>
      %parallel_loop3A_305 = arith.constant 0.00999999977 : f32
      %parallel_loop3A_306 = vector.broadcast %parallel_loop3A_305 : f32 to vector<16xf32>
      %parallel_loop3A_307 = arith.mulf %parallel_loop3A_306, %parallel_loop3A_304 : vector<16xf32>
      %parallel_loop3A_308 = arith.maximumf %parallel_loop3A_304, %parallel_loop3A_307 : vector<16xf32>
      %parallel_loop3A_309 = arith.index_cast %parallel_loop3A_292 : i32 to index
      %parallel_loop3A_310 = arith.constant 16 : index
      %parallel_loop3A_311 = tpu.vector_load %arg15[%parallel_loop3A_309, %parallel_loop3A_310] {strides = array<i32>} : memref<256x128xf32, #tpu.memory_space<vmem>>, vector<16xf32>,
      tpu.vector_store %arg15[%parallel_loop3A_309, %parallel_loop3A_310], %parallel_loop3A_308 {strides = array<i32>} : memref<256x128xf32, #tpu.memory_space<vmem>>, vector<16xf32>,
      %parallel_loop3A_312 = arith.mulf %parallel_loop3A_295, %mul3A_218 : vector<16xf32>
      %parallel_loop3A_313 = arith.constant 0.00999999977 : f32
      %parallel_loop3A_314 = vector.broadcast %parallel_loop3A_313 : f32 to vector<16xf32>
      %parallel_loop3A_315 = arith.mulf %parallel_loop3A_314, %parallel_loop3A_312 : vector<16xf32>
      %parallel_loop3A_316 = arith.maximumf %parallel_loop3A_312, %parallel_loop3A_315 : vector<16xf32>
      %parallel_loop3A_317 = arith.index_cast %parallel_loop3A_292 : i32 to index
      %parallel_loop3A_318 = arith.constant 32 : index
      %parallel_loop3A_319 = tpu.vector_load %arg15[%parallel_loop3A_317, %parallel_loop3A_318] {strides = array<i32>} : memref<256x128xf32, #tpu.memory_space<vmem>>, vector<16xf32>,
      tpu.vector_store %arg15[%parallel_loop3A_317, %parallel_loop3A_318], %parallel_loop3A_316 {strides = array<i32>} : memref<256x128xf32, #tpu.memory_space<vmem>>, vector<16xf32>,
      %parallel_loop3A_320 = arith.mulf %parallel_loop3A_295, %mul3A_221 : vector<16xf32>
      %parallel_loop3A_321 = arith.constant 0.00999999977 : f32
      %parallel_loop3A_322 = vector.broadcast %parallel_loop3A_321 : f32 to vector<16xf32>
      %parallel_loop3A_323 = arith.mulf %parallel_loop3A_322, %parallel_loop3A_320 : vector<16xf32>
      %parallel_loop3A_324 = arith.maximumf %parallel_loop3A_320, %parallel_loop3A_323 : vector<16xf32>
      %parallel_loop3A_325 = arith.index_cast %parallel_loop3A_292 : i32 to index
      %parallel_loop3A_326 = arith.constant 48 : index
      %parallel_loop3A_327 = tpu.vector_load %arg15[%parallel_loop3A_325, %parallel_loop3A_326] {strides = array<i32>} : memref<256x128xf32, #tpu.memory_space<vmem>>, vector<16xf32>,
      tpu.vector_store %arg15[%parallel_loop3A_325, %parallel_loop3A_326], %parallel_loop3A_324 {strides = array<i32>} : memref<256x128xf32, #tpu.memory_space<vmem>>, vector<16xf32>,
      %parallel_loop3A_328 = arith.mulf %parallel_loop3A_295, %mul3A_224 : vector<16xf32>
      %parallel_loop3A_329 = arith.constant 0.00999999977 : f32
      %parallel_loop3A_330 = vector.broadcast %parallel_loop3A_329 : f32 to vector<16xf32>
      %parallel_loop3A_331 = arith.mulf %parallel_loop3A_330, %parallel_loop3A_328 : vector<16xf32>
      %parallel_loop3A_332 = arith.maximumf %parallel_loop3A_328, %parallel_loop3A_331 : vector<16xf32>
      %parallel_loop3A_333 = arith.index_cast %parallel_loop3A_292 : i32 to index
      %parallel_loop3A_334 = arith.constant 64 : index
      %parallel_loop3A_335 = tpu.vector_load %arg15[%parallel_loop3A_333, %parallel_loop3A_334] {strides = array<i32>} : memref<256x128xf32, #tpu.memory_space<vmem>>, vector<16xf32>,
      tpu.vector_store %arg15[%parallel_loop3A_333, %parallel_loop3A_334], %parallel_loop3A_332 {strides = array<i32>} : memref<256x128xf32, #tpu.memory_space<vmem>>, vector<16xf32>,
      %parallel_loop3A_336 = arith.mulf %parallel_loop3A_295, %mul3A_227 : vector<16xf32>
      %parallel_loop3A_337 = arith.constant 0.00999999977 : f32
      %parallel_loop3A_338 = vector.broadcast %parallel_loop3A_337 : f32 to vector<16xf32>
      %parallel_loop3A_339 = arith.mulf %parallel_loop3A_338, %parallel_loop3A_336 : vector<16xf32>
      %parallel_loop3A_340 = arith.maximumf %parallel_loop3A_336, %parallel_loop3A_339 : vector<16xf32>
      %parallel_loop3A_341 = arith.index_cast %parallel_loop3A_292 : i32 to index
      %parallel_loop3A_342 = arith.constant 80 : index
      %parallel_loop3A_343 = tpu.vector_load %arg15[%parallel_loop3A_341, %parallel_loop3A_342] {strides = array<i32>} : memref<256x128xf32, #tpu.memory_space<vmem>>, vector<16xf32>,
      tpu.vector_store %arg15[%parallel_loop3A_341, %parallel_loop3A_342], %parallel_loop3A_340 {strides = array<i32>} : memref<256x128xf32, #tpu.memory_space<vmem>>, vector<16xf32>,
      %parallel_loop3A_344 = arith.mulf %parallel_loop3A_295, %mul3A_230 : vector<16xf32>
      %parallel_loop3A_345 = arith.constant 0.00999999977 : f32
      %parallel_loop3A_346 = vector.broadcast %parallel_loop3A_345 : f32 to vector<16xf32>
      %parallel_loop3A_347 = arith.mulf %parallel_loop3A_346, %parallel_loop3A_344 : vector<16xf32>
      %parallel_loop3A_348 = arith.maximumf %parallel_loop3A_344, %parallel_loop3A_347 : vector<16xf32>
      %parallel_loop3A_349 = arith.index_cast %parallel_loop3A_292 : i32 to index
      %parallel_loop3A_350 = arith.constant 96 : index
      %parallel_loop3A_351 = tpu.vector_load %arg15[%parallel_loop3A_349, %parallel_loop3A_350] {strides = array<i32>} : memref<256x128xf32, #tpu.memory_space<vmem>>, vector<16xf32>,
      tpu.vector_store %arg15[%parallel_loop3A_349, %parallel_loop3A_350], %parallel_loop3A_348 {strides = array<i32>} : memref<256x128xf32, #tpu.memory_space<vmem>>, vector<16xf32>,
      %parallel_loop3A_352 = arith.mulf %parallel_loop3A_295, %mul3A_233 : vector<16xf32>
      %parallel_loop3A_353 = arith.constant 0.00999999977 : f32
      %parallel_loop3A_354 = vector.broadcast %parallel_loop3A_353 : f32 to vector<16xf32>
      %parallel_loop3A_355 = arith.mulf %parallel_loop3A_354, %parallel_loop3A_352 : vector<16xf32>
      %parallel_loop3A_356 = arith.maximumf %parallel_loop3A_352, %parallel_loop3A_355 : vector<16xf32>
      %parallel_loop3A_357 = arith.index_cast %parallel_loop3A_292 : i32 to index
      %parallel_loop3A_358 = arith.constant 112 : index
      %parallel_loop3A_359 = tpu.vector_load %arg15[%parallel_loop3A_357, %parallel_loop3A_358] {strides = array<i32>} : memref<256x128xf32, #tpu.memory_space<vmem>>, vector<16xf32>,
      tpu.vector_store %arg15[%parallel_loop3A_357, %parallel_loop3A_358], %parallel_loop3A_356 {strides = array<i32>} : memref<256x128xf32, #tpu.memory_space<vmem>>, vector<16xf32>,
    } {sc.loop_unroll_factor = 2 : i64, sc.parallel_access}
    %add3A_254 = arith.constant 128 : i32
    %add3A_255 = arith.addi %mul3A_35, %add3A_254 : i32
    %dma_start3A_256 = arith.constant 128 : i32
    %dma_start3A_257 = arith.constant 0 : i32
    %dma_start3A_258 = tpu.memref_slice %arg15[%dma_start3A_256, %dma_start3A_257] : memref<256x128xf32, #tpu.memory_space<vmem>> -> memref<128x128xf32, #tpu.memory_space<vmem>>
    %dma_start3A_259 = arith.constant 0 : i32
    %dma_start3A_260 = tpu.memref_slice %arg7[%add3A_19, %add3A_255, %dma_start3A_259] : memref<8x1024x128xf32, #tpu.memory_space<hbm>> -> memref<1x128x128xf32, #tpu.memory_space<hbm>>
    %dma_start3A_261 = tpu.memref_squeeze %dma_start3A_260 : memref<1x128x128xf32, #tpu.memory_space<hbm>> -> memref<128x128xf32, #tpu.memory_space<hbm>>
    %dma_start3A_262 = arith.constant 0 : i32
    %dma_start3A_263 = tpu.memref_slice %arg7[%add3A_19, %add3A_255, %dma_start3A_262] : memref<8x1024x128xf32, #tpu.memory_space<hbm>> -> memref<1x128x128xf32, #tpu.memory_space<hbm>>
    %dma_start3A_264 = tpu.memref_squeeze %dma_start3A_263 : memref<1x128x128xf32, #tpu.memory_space<hbm>> -> memref<128x128xf32, #tpu.memory_space<hbm>>
    %dma_start3A_265 = arith.constant 128 : i32
    %dma_start3A_266 = arith.constant 0 : i32
    %dma_start3A_267 = tpu.memref_slice %arg15[%dma_start3A_265, %dma_start3A_266] : memref<256x128xf32, #tpu.memory_space<vmem>> -> memref<128x128xf32, #tpu.memory_space<vmem>>
    tpu.enqueue_dma source(%dma_start3A_267 : memref<128x128xf32, #tpu.memory_space<vmem>>) target(%dma_start3A_264 : memref<128x128xf32, #tpu.memory_space<hbm>>) target_semaphore(%arg19 : memref<!tpu.dma_semaphore, #tpu.memory_space<semaphore_mem>>)
    %dma_wait3A_268 = arith.constant 0 : i32
    %dma_wait3A_269 = arith.constant 0 : i32
    %dma_wait3A_270 = tpu.memref_slice %arg15[%dma_wait3A_268, %dma_wait3A_269] : memref<256x128xf32, #tpu.memory_space<vmem>> -> memref<128x128xf32, #tpu.memory_space<vmem>>
    %dma_wait3A_271 = arith.constant 0 : i32
    %dma_wait3A_272 = tpu.memref_slice %arg7[%add3A_19, %mul3A_35, %dma_wait3A_271] : memref<8x1024x128xf32, #tpu.memory_space<hbm>> -> memref<1x128x128xf32, #tpu.memory_space<hbm>>
    %dma_wait3A_273 = tpu.memref_squeeze %dma_wait3A_272 : memref<1x128x128xf32, #tpu.memory_space<hbm>> -> memref<128x128xf32, #tpu.memory_space<hbm>>
    %dma_wait3A_274 = arith.constant 0 : i32
    %dma_wait3A_275 = tpu.memref_slice %arg7[%add3A_19, %mul3A_35, %dma_wait3A_274] : memref<8x1024x128xf32, #tpu.memory_space<hbm>> -> memref<1x128x128xf32, #tpu.memory_space<hbm>>
    %dma_wait3A_276 = tpu.memref_squeeze %dma_wait3A_275 : memref<1x128x128xf32, #tpu.memory_space<hbm>> -> memref<128x128xf32, #tpu.memory_space<hbm>>
    %dma_wait3A_277 = arith.constant 0 : i32
    %dma_wait3A_278 = arith.constant 0 : i32
    %dma_wait3A_279 = tpu.memref_slice %arg15[%dma_wait3A_277, %dma_wait3A_278] : memref<256x128xf32, #tpu.memory_space<vmem>> -> memref<128x128xf32, #tpu.memory_space<vmem>>
    tpu.wait_dma2 semaphore(%arg19 : memref<!tpu.dma_semaphore, #tpu.memory_space<semaphore_mem>>) src(%dma_wait3A_279 : memref<128x128xf32, #tpu.memory_space<vmem>>) dst(%dma_wait3A_276 : memref<128x128xf32, #tpu.memory_space<hbm>>)
    %dma_wait3A_280 = arith.constant 128 : i32
    %dma_wait3A_281 = arith.constant 0 : i32
    %dma_wait3A_282 = tpu.memref_slice %arg15[%dma_wait3A_280, %dma_wait3A_281] : memref<256x128xf32, #tpu.memory_space<vmem>> -> memref<128x128xf32, #tpu.memory_space<vmem>>
    %dma_wait3A_283 = arith.constant 0 : i32
    %dma_wait3A_284 = tpu.memref_slice %arg7[%add3A_19, %add3A_255, %dma_wait3A_283] : memref<8x1024x128xf32, #tpu.memory_space<hbm>> -> memref<1x128x128xf32, #tpu.memory_space<hbm>>
    %dma_wait3A_285 = tpu.memref_squeeze %dma_wait3A_284 : memref<1x128x128xf32, #tpu.memory_space<hbm>> -> memref<128x128xf32, #tpu.memory_space<hbm>>
    %dma_wait3A_286 = arith.constant 0 : i32
    %dma_wait3A_287 = tpu.memref_slice %arg7[%add3A_19, %add3A_255, %dma_wait3A_286] : memref<8x1024x128xf32, #tpu.memory_space<hbm>> -> memref<1x128x128xf32, #tpu.memory_space<hbm>>
    %dma_wait3A_288 = tpu.memref_squeeze %dma_wait3A_287 : memref<1x128x128xf32, #tpu.memory_space<hbm>> -> memref<128x128xf32, #tpu.memory_space<hbm>>
    %dma_wait3A_289 = arith.constant 128 : i32
    %dma_wait3A_290 = arith.constant 0 : i32
    %dma_wait3A_291 = tpu.memref_slice %arg15[%dma_wait3A_289, %dma_wait3A_290] : memref<256x128xf32, #tpu.memory_space<vmem>> -> memref<128x128xf32, #tpu.memory_space<vmem>>
    tpu.wait_dma2 semaphore(%arg19 : memref<!tpu.dma_semaphore, #tpu.memory_space<semaphore_mem>>) src(%dma_wait3A_291 : memref<128x128xf32, #tpu.memory_space<vmem>>) dst(%dma_wait3A_288 : memref<128x128xf32, #tpu.memory_space<hbm>>)
    return
  }
}

</mosaic_0001>

<sc_bundles>
// kernel: _gat_sc.3.cloned.1.call-start
scs
__scs_entry_jumppad:
0x0: {  	(pc) =	sbr.rel $0x88, $3  }
0x1: {  	(tag) =	ssettag $0x0;
	lr =	simm.s32 $0x1  }
0x2: {  	[smem:$0x3F9C] =	sst lr;
	_ =	strace $0xD0000000  }
0x3: {  	_ = 	snop  }
0x4: {  	_ = 	snop  }
0x5: {  	_ = 	snop  }
0x6: {  	_ = 	snop  }
0x7: {  	_ = 	snop  }
__scs_overlays_trampoline_lowered:
0x8: {  	[smem:$0x3FAB] =	sst s0  }
0x9: {  	[smem:$0x3FAC] =	sst s1  }
0xa: {  	[smem:$0x3FAD] =	sst s2  }
0xb: {  	[smem:$0x3FAE] =	sst s3  }
0xc: {  	[smem:$0x3FAF] =	sst s4  }
0xd: {  	[smem:$0x3FB0] =	sst s5  }
0xe: {  	[smem:$0x3FB1] =	sst s6  }
0xf: {  	[smem:$0x3FB2] =	sst s7  }
0x10: {  	[smem:$0x3FB3] =	sst s8  }
0x11: {  	[smem:$0x3FB4] =	sst s9;
	s0 =	simm.s32 @!p0 $0x0  }
0x12: {  	s1 =	sld [smem:$0x3F9A];
	s0 =	simm.s32 @p0 $0x1  }
0x13: {  	[smem:$0x3FB5] =	sst s0;
	s0 =	simm.s32 @!p1 $0x0  }
0x14: {  	s2 =	sld [smem:$0x3F99];
	s0 =	simm.s32 @p1 $0x1  }
0x15: {  	[smem:$0x3FB6] =	sst s0;
	s0 =	simm.s32 @!p2 $0x0  }
0x16: {  	s3 =	sld [smem:$0x3FDB];
	s0 =	simm.s32 @p2 $0x1  }
0x17: {  	s4 =	simm.s32 $0x1BF5;
	[smem:$0x3FB8] =	sst s0  }
0x18: {  	s0 =	sld [smem:$0x3F9B];
	_ =	swait.ge [sflag:s4], $0x0  }
0x19: {  	s7 =	sld [smem:$0x3F9C]  }
0x1a: {  	s8 =	sadd.s32 $0xFFFFE003, lr  }
0x1b: {  	s9 =	sadd.s32 $0xFFFFFEF7, lr;
	s5 =	simm.s32 $0xFFFFFFFF;
	p2 =	slt.u32 s8, $0xFFFFF086  }
0x1c: {  	p1 =	slt.u32 s9, $0xF7A;
	s5 =	simm.s32 @!p2 $0x0  }
0x1d: {  	s5 =	simm.s32 @p1 $0x1;
	p0 =	seq.s32 s7, s2  }
0x1e: {  	s7 =	smul.u32 @!p0 $0xF7A, s2;
	p2 =	seq.s32 @!p0 s5, $0x0  }
0x1f: {  	s9 =	smul.u32 $0xF7A, s1;
	s8 =	simm.s32 @!p0 $0x1BF5;
	p2 =	por !p2, p0  }
0x20: {  	[sflag:s8] =	ssyncset.s32 @!p0 $0xFFFFF086;
	s6 =	sadd.s32 @!p0 s3, s7;
	s7 =	simm.s32 @!p0 $0x108  }
0x21: {  	s3 =	sadd.s32 s3, s9;
	s6 =	sadd.s32 @!p0 $0x88, s6;
	s7 =	simm.s32 @p2 $0x1082  }
0x22: {  	[simem:s7], [sflag:s8] =	dma.local @!p0 [hbm:s6], $0xF7A  }
0x23: {  	s9 =	sor.u32 $0xD0000000, s2;
	s6 =	simm.s32 $0x108;
	_ =	swait.ge @!p0 [sflag:s8], $0x0  }
0x24: {  	s3 =	sadd.s32 $0x88, s3;
	s6 =	simm.s32 @!p1 $0x1082;
	[sflag:s4] =	ssyncset.s32 $0xFFFFF086  }
0x25: {  	[simem:s6], [sflag:s4] =	dma.local [hbm:s3], $0xF7A  }
0x26: {  	[smem:$0x3F9C] =	sst s1;
	(tag) =	ssettag s2;
	_ =	strace s9  }
0x27: {  	s1 =	sld [smem:$0x3FAC]  }
0x28: {  	s2 =	sld [smem:$0x3FAD]  }
0x29: {  	s4 =	sld [smem:$0x3FAF]  }
0x2a: {  	p0 =	seq.s32 s5, $0x0;
	s5 =	sld [smem:$0x3FB0]  }
0x2b: {  	s6 =	sld [smem:$0x3FB1]  }
0x2c: {  	s7 =	sld [smem:$0x3FB2]  }
0x2d: {  	s3 =	simm.s32 $0x108;
	s8 =	sld [smem:$0x3FB3]  }
0x2e: {  	s3 =	simm.s32 @!p0 $0x1082;
	s9 =	sld [smem:$0x3FB4]  }
0x2f: {  	lr =	sadd.s32 s0, s3;
	s0 =	sld [smem:$0x3FAB]  }
0x30: {  	s3 =	sld [smem:$0x3FAE]  }
0x31: {  	[smem:$0x3FB7] =	sst s10  }
0x32: {  	s10 =	sld [smem:$0x3FB5];
	_ =	sdelay $0x3  }
0x33: {  	p0 =	seq.s32 s10, $0x1;
	s10 =	sld [smem:$0x3FB7];
	_ =	sdelay $0x3  }
0x34: {  	[smem:$0x3FB7] =	sst s10  }
0x35: {  	s10 =	sld [smem:$0x3FB6];
	_ =	sdelay $0x3  }
0x36: {  	p1 =	seq.s32 s10, $0x1;
	s10 =	sld [smem:$0x3FB7];
	_ =	sdelay $0x3  }
0x37: {  	[smem:$0x3FB7] =	sst s10  }
0x38: {  	s10 =	sld [smem:$0x3FB8]  }
0x39: {  	_ = 	snop;
	(pc) =	sbr.ind lr, $3  }
0x3a: {  	_ = 	snop  }
0x3b: {  	_ = 	snop  }
0x3c: {  	p2 =	seq.s32 s10, $0x1;
	s10 =	sld [smem:$0x3FB7]  }
0x3d: {  	_ =	shalt  }
0x3e: {  	_ =	shalt  }
0x3f: {  	_ =	shalt  }
0x40: {  	_ =	shalt  }
0x41: {  	_ =	shalt  }
0x42: {  	_ =	shalt  }
0x43: {  	_ =	shalt  }
0x44: {  	_ =	shalt  }
0x45: {  	_ =	shalt  }
0x46: {  	_ =	shalt  }
0x47: {  	_ =	shalt  }
0x48: {  	_ =	shalt  }
0x49: {  	_ =	shalt  }
0x4a: {  	_ =	shalt  }
0x4b: {  	_ =	shalt  }
0x4c: {  	_ =	shalt  }
0x4d: {  	_ =	shalt  }
0x4e: {  	_ =	shalt  }
0x4f: {  	_ =	shalt  }
0x50: {  	_ =	shalt  }
0x51: {  	_ =	shalt  }
0x52: {  	_ =	shalt  }
0x53: {  	_ =	shalt  }
0x54: {  	_ =	shalt  }
0x55: {  	_ =	shalt  }
0x56: {  	_ =	shalt  }
0x57: {  	_ =	shalt  }
0x58: {  	_ =	shalt  }
0x59: {  	_ =	shalt  }
0x5a: {  	_ =	shalt  }
0x5b: {  	_ =	shalt  }
0x5c: {  	_ =	shalt  }
0x5d: {  	_ =	shalt  }
0x5e: {  	_ =	shalt  }
0x5f: {  	_ =	shalt  }
0x60: {  	_ =	shalt  }
0x61: {  	_ =	shalt  }
0x62: {  	_ =	shalt  }
0x63: {  	_ =	shalt  }
0x64: {  	_ =	shalt  }
0x65: {  	_ =	shalt  }
0x66: {  	_ =	shalt  }
0x67: {  	_ =	shalt  }
0x68: {  	_ =	shalt  }
0x69: {  	_ =	shalt  }
0x6a: {  	_ =	shalt  }
0x6b: {  	_ =	shalt  }
0x6c: {  	_ =	shalt  }
0x6d: {  	_ =	shalt  }
0x6e: {  	_ =	shalt  }
0x6f: {  	_ =	shalt  }
0x70: {  	_ =	shalt  }
0x71: {  	_ =	shalt  }
0x72: {  	_ =	shalt  }
0x73: {  	_ =	shalt  }
0x74: {  	_ =	shalt  }
0x75: {  	_ =	shalt  }
0x76: {  	_ =	shalt  }
0x77: {  	_ =	shalt  }
0x78: {  	_ =	shalt  }
0x79: {  	_ =	shalt  }
0x7a: {  	_ =	shalt  }
0x7b: {  	_ =	shalt  }
0x7c: {  	_ =	shalt  }
0x7d: {  	_ =	shalt  }
0x7e: {  	_ =	shalt  }
0x7f: {  	_ =	shalt  }
0x80: {  	_ =	shalt  }
0x81: {  	_ =	shalt  }
0x82: {  	_ =	shalt  }
0x83: {  	_ =	shalt  }
0x84: {  	_ =	shalt  }
0x85: {  	_ =	shalt  }
0x86: {  	_ =	shalt  }
0x87: {  	_ =	shalt  }
.Lfunc_end0:
.L_simem_size_0:
called_computation_lowered:
.L_overlay_start_0:
0x88: {  	s2 =	sld [smem:$0x3FD9]  }
0x89: {  	s3 =	sld [smem:$0x3FFE];
	_ =	sdelay $0x1  }
0x8a: {  	s1 =	srdreg.scid  }
0x8b: {  	s0 =	sand.u32 $0x1, s1  }
0x8c: {  	s19 =	sshll.u32 s0, $0xA;
	s2 =	sadd.s32 s3, s2  }
0x8d: {  	s3 =	sadd.s32 s2, s19  }
0x8e: {  	[smem:$0x3FC3] =	sst s3  }
0x8f: {  	_ = 	snop  }
0x90: {  	s3 =	sld [smem:$0x3FC9]  }
0x91: {  	s4 =	sld [smem:$0x3FC8]  }
0x92: {  	s5 =	sld [smem:$0x3FC7]  }
0x93: {  	s6 =	sld [smem:$0x3FC6]  }
0x94: {  	s7 =	sld [smem:$0x3FC5]  }
0x95: {  	s8 =	sld [smem:$0x3FD0];
	(tm) =	ssettm $0x1  }
0x96: {  	s9 =	sld [smem:$0x3FFB];
	_ =	sdelay $0x3  }
0x97: {  	_ =	strace s9  }
0x98: {  	s9 =	sld [smem:$0x3FFC];
	_ =	sdelay $0x3  }
0x99: {  	_ =	strace s9  }
0x9a: {  	s9 =	sld [smem:$0x3FFD];
	_ =	sdelay $0x3  }
0x9b: {  	_ =	strace s9  }
0x9c: {  	_ =	strace $0x8FFFFFFF  }
0x9d: {  	s20 =	sld [smem:$0x3FDB];
	_ =	sdelay $0x1  }
0x9e: {  	s10 =	simm.s32 $_scs_section_size  }
0x9f: {  	s11 =	simm.s32 $_size__tile_overlayer_lowered;
	s12 =	simm.s32 $_tile_overlayer_lowered  }
0xa0: {  	s23 =	simm.s32 $0x1BFF;
	s22 =	sshll.u32 s12, $0x1;
	s9 =	sadd.s32 s10, s20  }
0xa1: {  	s13 =	simm.s32 $0x0;
	s21 =	sshll.u32 s11, $0x1;
	s11 =	sadd.s32 s22, s9  }
0xa2: {  	[timem:s13], [sflag:s23] =	dma.local [hbm:s11], s21  }
0xa3: {  	_ =	swait.ge [sflag:s23], s21  }
0xa4: {  	s10 =	ssub.s32 $0x0, s21;
	[sflag:s23] =	ssyncset.done $0x0  }
0xa5: {  	[sflag:s23] =	ssyncadd.s32 s10;
	_ =	sdelay $0x1  }
0xa6: {  	s24 =	simm.s32 $0x1B8B  }
0xa7: {  	_ =	swait.ge [sflag:s24], $0x1  }
0xa8: {  	[sflag:s24] =	ssyncset.done $0x0  }
0xa9: {  	s25 =	simm.s32 $0x1B8E;
	[sflag:s24] =	ssyncadd.s32 $0xFFFFFFFF  }
0xaa: {  	s26 =	simm.s32 $execute0_lowered;
	[smem:$0x3FD2] =	sst s25  }
0xab: {  	s10 =	sshll.u32 s26, $0x1;
	_ =	strace $0x80000046;
	[dreg:$0x1] =	wrdreg $0xFFFFFFFF  }
0xac: {  	s28 =	simm.s32 $_size_execute0_lowered;
	s9 =	sadd.s32 s9, s10;
	[dreg:$0x0] =	wrdreg $0x0  }
0xad: {  	s10 =	sshll.u32 s28, $0x1;
	[dreg:$0x2] =	wrdreg s9  }
0xae: {  	[dreg:$0x3] =	wrdreg s10  }
0xaf: {  	[dreg:$0x4] =	wrdreg $0xC0  }
0xb0: {  	_ =	task [dreg:s13], $0x5FFFF  }
0xb1: {  	[dreg:$0x1] =	wrdreg $0xFFFFFFFF  }
0xb2: {  	[dreg:$0x0] =	wrdreg $0x60  }
0xb3: {  	[dreg:$0x2] =	wrdreg s3  }
0xb4: {  	[dreg:$0x3] =	wrdreg s4  }
0xb5: {  	[dreg:$0x4] =	wrdreg s5  }
0xb6: {  	[dreg:$0x5] =	wrdreg s6  }
0xb7: {  	[dreg:$0x6] =	wrdreg s7  }
0xb8: {  	s2 =	sadd.s32 $0x800, s2;
	[dreg:$0x7] =	wrdreg s8  }
0xb9: {  	[dreg:$0x8] =	wrdreg s2  }
0xba: {  	[dreg:$0x9] =	wrdreg $0x9  }
0xbb: {  	_ =	task.clear_ibuf [dreg:s13], $0xAFFFF;
	_ =	strace $0x90000046  }
0xbc: {  	s29 =	simm.s32 $0x9;
	_ =	strace $0x80000048  }
0xbd: {  	_ =	swait.ge [sflag:s29], $0x1  }
0xbe: {  	[sflag:s29] =	ssyncadd.s32 $0xFFFFFFFF  }
0xbf: {  	_ =	strace $0x90000048  }
0xc0: {  	_ =	sfence  }
0xc1: {  	s30 =	sld [smem:$0x0];
	_ =	sdelay $0x2  }
0xc2: {  	s31 =	sshll.u32 s1, $0xD;
	s1 =	sshrl.u32 s1, $0x2  }
0xc3: {  	s3 =	sand.u32 $0x4000, s31;
	s1 =	sadd.s32 s1, s30  }
0xc4: {  	s0 =	sor.u32 s3, s0;
	s1 =	sshll.u32 s1, $0x11  }
0xc5: {  	s0 =	sor.u32 s1, s0  }
0xc6: {  	s0 =	sadd.s32 $0x8F2B, s0  }
0xc7: {  	[sflag:s0] =	ssyncadd.remote.s32 $0x1  }
0xc8: {  	_ =	sfence.sel $0xFFFF  }
0xc9: {  	[dreg:$0x0] =	wrdreg $0xFFFFFFFF;
	(pc) =	sbr.abs _section_cstart, $3  }
0xca: {  	[dreg:$0x1] =	wrdreg $0xFFFFFFFF  }
0xcb: {  	_ =	task.clear_ibuf [dreg:s13], $0x2FFFF;
	_ =	strace $0x9FFFFFFF  }
0xcc: {  	(tm) =	ssettm $0x7FFFFFFF  }
0xcd: {  	_ =	shalt  }
tec
execute0_lowered:
.L_overlay_start_1:
0x0: {  	(tag) =	ssettag $0x1  }
0x1: {  	s5 =	rddreg [dreg:$0x0]  }
0x2: {  	s1 =	rddreg [dreg:$0x1]  }
0x3: {  	s2 =	rddreg [dreg:$0x2]  }
0x4: {  	s6 =	rddreg [dreg:$0x3]  }
0x5: {  	s7 =	rddreg [dreg:$0x4]  }
0x6: {  	s8 =	rddreg [dreg:$0x5]  }
0x7: {  	s21 =	rddreg [dreg:$0x6];
	s9 =	srdreg.scid  }
0x8: {  	s4 =	simm.s32 $0x0;
	s3 =	stileid.u32;
	s18 =	simm.s32 $0xB980  }
0x9: {  	s19 =	simm.s32 $0x2;
	s20 =	simm.s32 $0x2780;
	s23 =	simm.s32 $0x3880  }
0xa: {  	s24 =	simm.s32 $0x3980;
	s25 =	simm.s32 $0x7980;
	s26 =	simm.s32 $0x0  }
0xb: {  	s9 =	sand.u32 $0x1, s9;
	[smem:$0x7FF] =	sst s4;
	s11 =	sshrl.u32 s3, $0x2  }
0xc: {  	s13 =	sand.u32 $0x3, s3;
	s31 =	sshll.u32 s3, $0x4;
	s10 =	sshll.u32 s9, $0x2  }
0xd: {  	s12 =	ssub.s32 $0x2, s9;
	s16 =	smul.u32 $0x220, s13;
	_ =	strace $0x80000047  }
0xe: {  	v0 =	vlaneseq.u32;
	s13 =	sshll.u32 s13, $0xC;
	s9 =	sshll.u32 s9, $0x8;
	s10 =	sor.u32 s11, s10  }
0xf: {  	v0 =	vmul.u32 $0x11, v0;
	s14 =	sshrl.u32 s12, $0x1;
	s11 =	sshll.u32 s11, $0x6;
	s17 =	sor.u32 s31, s9  }
0x10: {  	s15 =	sshll.u32 s10, $0x4;
	s12 =	ssub.s32 s12, s14;
	s6 =	sadd.s32 s6, s16  }
0x11: {  	v1 =	vadd.s32 $0x1, v0;
	s7 =	sadd.s32 s7, s16;
	s10 =	sshll.u32 s10, $0xE;
	s22 =	sor.u32 s9, s11  }
0x12: {  	v2 =	vadd.s32 $0x2, v0;
	v3 =	vadd.s32 $0x3, v0;
	v4 =	vadd.s32 $0x4, v0;
	s11 =	simm.s32 $0x80;
	s14 =	simm.s32 $0x580;
	s16 =	simm.s32 $0x1  }
0x13: {  	v5 =	vadd.s32 $0x5, v0;
	v6 =	vadd.s32 $0x6, v0;
	v7 =	vadd.s32 $0x7, v0;
	s17 =	sadd.s32 s21, s17;
	s5 =	sadd.s32 s15, s5;
	s10 =	sor.u32 s13, s10  }
0x14: {  	v8 =	vadd.s32 $0x8, v0;
	v9 =	vadd.s32 $0x9, v0;
	v10 =	vadd.s32 $0xA, v0;
	s13 =	simm.s32 $0x480;
	s15 =	simm.s32 $0x1680;
	s21 =	sadd.s32 s21, s22  }
0x15: {  	v11 =	vadd.s32 $0xB, v0;
	v12 =	vadd.s32 $0xC, v0;
	v13 =	vadd.s32 $0xD, v0;
	s22 =	simm.s32 $0xBA00;
	s5 =	sadd.s32 $0x4000, s5;
	s8 =	sadd.s32 s8, s10  }
0x16: {  	v14 =	vadd.s32 $0xE, v0;
	v15 =	vadd.s32 $0xF, v0;
	v16 =	vadd.s32 $0x10, v0;
	s10 =	smax.u32 s12, $0x1;
	s12 =	simm.s32 $0x400;
	s9 =	sadd.s32 $0x800, s8  }
.LBB2_1:
0x17: {  	[tilespmem:s4], [sflag:$0x1] =	stream.strided.gather [hbm4b:s5+s11], $0x400, s12, s11, $0x38;
	[tilespmem:$0xBC00] =	vst v63  }
0x18: {  	_ = 	snop  }
0x19: {  	[tilespmem:s12], [sflag:$0x1] =	stream.linear.gather [hbm4b:s1+s4], $0x80, $0x38;
	[tilespmem:$0xBC00] =	vst v63  }
0x1a: {  	_ = 	snop  }
0x1b: {  	[tilespmem:s13], [sflag:$0x1] =	stream.linear.gather [hbm4b:s2+s4], $0x100, $0x38;
	[tilespmem:$0xBC00] =	vst v63  }
0x1c: {  	_ = 	snop  }
0x1d: {  	[tilespmem:s14], [sflag:$0x1] =	stream.linear.gather [hbm4b:s6+s4], $0x1100, $0x38;
	[tilespmem:$0xBC00] =	vst v63  }
0x1e: {  	_ = 	snop  }
0x1f: {  	[tilespmem:s15], [sflag:$0x1] =	stream.linear.gather [hbm4b:s7+s4], $0x1100, $0x38;
	[tilespmem:$0xBC00] =	vst v63  }
0x20: {  	_ =	swait.ge [sflag:s16], $0x400  }
0x21: {  	[sflag:s16] =	ssyncset.done $0x0  }
0x22: {  	[sflag:s16] =	ssyncadd.s32 $0xFFFFFC00  }
0x23: {  	_ =	swait.ge [sflag:s16], $0x80  }
0x24: {  	[sflag:s16] =	ssyncset.done $0x0  }
0x25: {  	[sflag:s16] =	ssyncadd.s32 $0xFFFFFF80  }
0x26: {  	_ =	swait.ge [sflag:s16], $0x100  }
0x27: {  	[sflag:s16] =	ssyncset.done $0x0  }
0x28: {  	[sflag:s16] =	ssyncadd.s32 $0xFFFFFF00  }
0x29: {  	_ =	swait.ge [sflag:s16], $0x1100  }
0x2a: {  	[sflag:s16] =	ssyncset.done $0x0  }
0x2b: {  	[sflag:s16] =	ssyncadd.s32 $0xFFFFEF00  }
0x2c: {  	_ =	swait.ge [sflag:s16], $0x1100  }
0x2d: {  	[sflag:s16] =	ssyncset.done $0x0  }
0x2e: {  	[sflag:s16] =	ssyncadd.s32 $0xFFFFEF00  }
0x2f: {  	v17 =	vld [tilespmem:$0x400]  }
0x30: {  	v18 =	vld [tilespmem:$0x480]  }
0x31: {  	v19 =	vld [tilespmem:$0x500]  }
0x32: {  	v20 =	vld [tilespmem:$0x410]  }
0x33: {  	v21 =	vld [tilespmem:$0x490]  }
0x34: {  	v22 =	vld [tilespmem:$0x510]  }
0x35: {  	v23 =	vld [tilespmem:$0x420]  }
0x36: {  	v24 =	vld [tilespmem:$0x4A0]  }
0x37: {  	v25 =	vld [tilespmem:$0x520]  }
0x38: {  	v26 =	vld [tilespmem:$0x430]  }
0x39: {  	v27 =	vld [tilespmem:$0x4B0]  }
0x3a: {  	v28 =	vld [tilespmem:$0x530]  }
0x3b: {  	v29 =	vld [tilespmem:$0x440]  }
0x3c: {  	v30 =	vld [tilespmem:$0x4C0];
	v18 =	vmul.f32 v18, v17  }
0x3d: {  	v31 =	vld [tilespmem:$0x450];
	v17 =	vmul.f32 v19, v17  }
0x3e: {  	v19 =	vld [tilespmem:$0x540];
	v21 =	vmul.f32 v21, v20;
	v18 =	vadd.f32 $0.0e+00, v18  }
0x3f: {  	v20 =	vmul.f32 v22, v20;
	v22 =	vld [tilespmem:$0x4D0];
	v17 =	vadd.f32 $0.0e+00, v17  }
0x40: {  	v18 =	vadd.f32 v21, v18;
	v21 =	vmul.f32 v24, v23;
	v24 =	vld [tilespmem:$0x550]  }
0x41: {  	v17 =	vadd.f32 v20, v17;
	v20 =	vmul.f32 v25, v23;
	v23 =	vld [tilespmem:$0x460]  }
0x42: {  	v25 =	vld [tilespmem:$0x4E0];
	v18 =	vadd.f32 v21, v18;
	v21 =	vmul.f32 v27, v26  }
0x43: {  	v17 =	vadd.f32 v20, v17;
	v20 =	vmul.f32 v28, v26;
	v26 =	vld [tilespmem:$0x560]  }
0x44: {  	v27 =	vld [tilespmem:$0x470];
	v18 =	vadd.f32 v21, v18;
	v21 =	vmul.f32 v30, v29  }
0x45: {  	v19 =	vmul.f32 v19, v29;
	v17 =	vadd.f32 v20, v17;
	v20 =	vld [tilespmem:$0x4F0]  }
0x46: {  	v18 =	vadd.f32 v21, v18;
	v21 =	vmul.f32 v22, v31;
	v22 =	vld [tilespmem:$0x570]  }
0x47: {  	v17 =	vadd.f32 v19, v17;
	v19 =	vmul.f32 v24, v31  }
0x48: {  	v18 =	vadd.f32 v21, v18;
	v21 =	vmul.f32 v25, v23  }
0x49: {  	v17 =	vadd.f32 v19, v17;
	v19 =	vmul.f32 v26, v23  }
0x4a: {  	s28 =	simm.s32 $0x16A0;
	v20 =	vmul.f32 v20, v27;
	v18 =	vadd.f32 v21, v18  }
0x4b: {  	s29 =	simm.s32 $0x5A0;
	v23 =	vld [tilespmem:s28+$0x10];
	v17 =	vadd.f32 v19, v17;
	v19 =	vmul.f32 v22, v27  }
0x4c: {  	v24 =	vld [tilespmem:s29+$0x10];
	v18 =	vadd.f32 v20, v18  }
0x4d: {  	v21 =	vld [tilespmem:s28+$0x0];
	v17 =	vadd.f32 v19, v17  }
0x4e: {  	v20 =	vld [tilespmem:s28+$0xFFFFFFE0];
	(xrf2) =	vadd.scan.msk.f32 $0xffff, v18  }
0x4f: {  	v19 =	vld [tilespmem:s29+$0xFFFFFFE0];
	(xrf2) =	vadd.scan.msk.f32 $0xffff, v17  }
0x50: {  	v18 =	vld [tilespmem:s28+$0xFFFFFFF0]  }
0x51: {  	v22 =	vld [tilespmem:s29+$0x0]  }
0x52: {  	v17 =	vld [tilespmem:s29+$0xFFFFFFF0]  }
0x53: {  	s28 =	simm.s32 $0x16E0;
	v30 =	vld.idx.msk [tilespmem:v23+s4+$0x0], $0xffff  }
0x54: {  	s29 =	simm.s32 $0x5E0;
	v23 =	vld [tilespmem:s28+$0x0]  }
0x55: {  	v29 =	vld [tilespmem:s29+$0xFFFFFFE0]  }
0x56: {  	v26 =	vld.idx.msk [tilespmem:v20+s4+$0x0], $0xffff  }
0x57: {  	v20 =	vld.idx.msk [tilespmem:v19+s4+$0x0], $0xffff  }
0x58: {  	v27 =	vld.idx.msk [tilespmem:v18+s4+$0x0], $0xffff;
	v18, _, _ =	vpop (xrf2)  }
0x59: {  	v25 =	vld.idx.msk [tilespmem:v21+s4+$0x0], $0xffff;
	v19, _, _ =	vpop (xrf2)  }
0x5a: {  	v21 =	vld.idx.msk [tilespmem:v22+s4+$0x0], $0xffff;
	v18 =	vbroadcast v18, $0xF;
	v19 =	vbroadcast v19, $0xF  }
0x5b: {  	v17 =	vld.idx.msk [tilespmem:v17+s4+$0x0], $0xffff  }
0x5c: {  	v22 =	vld.idx.msk [tilespmem:v24+s4+$0x0], $0xffff;
	v20 =	vmul.f32 v20, v18;
	v24 =	vmul.f32 v26, v19  }
0x5d: {  	v28 =	vld [tilespmem:s28+$0xFFFFFFE0]  }
0x5e: {  	v20 =	vadd.f32 v20, v24;
	v24 =	vld [tilespmem:s28+$0xFFFFFFF0]  }
0x5f: {  	v31 =	vld [tilespmem:s29+$0xFFFFFFF0]  }
0x60: {  	v35 =	vld [tilespmem:s28+$0x10];
	v21 =	vmul.f32 v21, v18;
	v17 =	vmul.f32 v17, v18  }
0x61: {  	v33 =	vld [tilespmem:s29+$0x0];
	v34 =	vmul.f32 v27, v19;
	v32 =	vmul.f32 $9.999999770e-03, v20  }
0x62: {  	v46 =	vld [tilespmem:s29+$0x10];
	v22 =	vmul.f32 v22, v18;
	v36 =	vmul.f32 v25, v19  }
0x63: {  	v34 =	vadd.f32 v17, v34;
	v17 =	vld.idx.msk [tilespmem:v23+s4+$0x0], $0xffff;
	v23 =	vmul.f32 v30, v19;
	v20 =	vmax.f32 v20, v32  }
0x64: {  	v29 =	vld.idx.msk [tilespmem:v29+s4+$0x0], $0xffff;
	v36 =	vadd.f32 v21, v36;
	v37 =	vmul.f32 $1.442695020e+00, v20  }
0x65: {  	v23 =	vadd.f32 v22, v23;
	v20 =	vld.idx.msk [tilespmem:v28+s4+$0x0], $0xffff;
	v28 =	vmul.f32 $9.999999770e-03, v34  }
0x66: {  	v47 =	vmul.f32 $9.999999770e-03, v36;
	(erf) = vpow2.f32 v37;
	v21 =	vld.idx.msk [tilespmem:v24+s4+$0x0], $0xffff  }
0x67: {  	v22 =	vmax.f32 v34, v28;
	v24 =	vld.idx.msk [tilespmem:v31+s4+$0x0], $0xffff;
	v31 =	vmul.f32 $9.999999770e-03, v23  }
0x68: {  	s29 =	simm.s32 $0x620;
	v28 =	vmul.f32 $1.442695020e+00, v22;
	v22 =	vmax.f32 v36, v47  }
0x69: {  	v51 =	vld [tilespmem:s29+$0xFFFFFFE0];
	v29 =	vmul.f32 v29, v18;
	v48 =	vmul.f32 $1.442695020e+00, v22;
	v23 =	vmax.f32 v23, v31  }
0x6a: {  	v33 =	vld.idx.msk [tilespmem:v33+s4+$0x0], $0xffff;
	(erf) = vpow2.f32 v28;
	v23 =	vmul.f32 $1.442695020e+00, v23  }
0x6b: {  	s28 =	simm.s32 $0x1720;
	v22 =	vld.idx.msk [tilespmem:v35+s4+$0x0], $0xffff;
	v49 =	vmul.f32 v20, v19;
	(erf) = vpow2.f32 v48  }
0x6c: {  	v31 =	vld [tilespmem:s28+$0x0];
	(erf) = vpow2.f32 v23  }
0x6d: {  	v28 =	vld.idx.msk [tilespmem:v46+s4+$0x0], $0xffff;
	v23 =	vadd.f32 v29, v49;
	v24 =	vmul.f32 v24, v18;
	v29 =	vmul.f32 v21, v19  }
0x6e: {  	v50 =	vld [tilespmem:s28+$0xFFFFFFE0]  }
0x6f: {  	v33 =	vmul.f32 v33, v18;
	v53 =	vld [tilespmem:s28+$0xFFFFFFF0];
	v24 =	vadd.f32 v24, v29;
	v29 =	vmul.f32 v17, v19;
	v52 =	vpop (erf)  }
0x70: {  	v38 =	vld [tilespmem:s29+$0xFFFFFFF0];
	v54 =	vmul.f32 v52, v26;
	v26 =	vmul.f32 $9.999999770e-03, v23  }
0x71: {  	v39 =	vld [tilespmem:s29+$0x0];
	v41 =	vmul.f32 v22, v19;
	v29 =	vadd.f32 v33, v29  }
0x72: {  	v42 =	vld [tilespmem:s28+$0x10];
	v28 =	vmul.f32 v28, v18;
	v23 =	vmax.f32 v23, v26;
	v26 =	vmul.f32 $9.999999770e-03, v24  }
0x73: {  	v40 =	vimm.f32 $0.0e+00;
	v55 =	vld [tilespmem:s29+$0x10];
	v56 =	vpop (erf);
	v57 =	vmul.f32 $9.999999770e-03, v29;
	v43 =	vmul.f32 $1.442695020e+00, v23  }
0x74: {  	v23 =	vld.idx.msk [tilespmem:v31+s4+$0x0], $0xffff;
	v31 =	vadd.f32 v28, v41;
	v27 =	vmul.f32 v56, v27;
	v24 =	vmax.f32 v24, v26  }
0x75: {  	v32 =	vadd.f32 v52, v40;
	v58 =	vpop (erf);
	v28 =	vld.idx.msk [tilespmem:v51+s4+$0x0], $0xffff;
	v24 =	vmul.f32 $1.442695020e+00, v24;
	(erf) = vpow2.f32 v43  }
0x76: {  	v26 =	vld.idx.msk [tilespmem:v50+s4+$0x0], $0xffff;
	v29 =	vmax.f32 v29, v57;
	v60 =	vmul.f32 v58, v25;
	v59 =	vmul.f32 $9.999999770e-03, v31  }
0x77: {  	s28 =	simm.s32 $0x27A0;
	v32 =	vadd.f32 v56, v32;
	v25 =	vld.idx.msk [tilespmem:v53+s4+$0x0], $0xffff;
	v61 =	vpop (erf);
	v62 =	vmul.f32 $1.442695020e+00, v29;
	(erf) = vpow2.f32 v24  }
0x78: {  	[tilespmem:s28+$0xFFFFFFE0] =	vst v54;
	v29 =	vld.idx.msk [tilespmem:v38+s4+$0x0], $0xffff;
	v30 =	vmul.f32 v61, v30;
	v24 =	vmax.f32 v31, v59  }
0x79: {  	v32 =	vadd.f32 v58, v32;
	[tilespmem:s28+$0xFFFFFFF0] =	vst v27;
	v31 =	vld.idx.msk [tilespmem:v39+s4+$0x0], $0xffff;
	v63 =	vmul.f32 $1.442695020e+00, v24;
	(erf) = vpow2.f32 v62  }
0x7a: {  	[tilespmem:s28+$0x0] =	vst v60;
	v24 =	vld.idx.msk [tilespmem:v42+s4+$0x0], $0xffff  }
0x7b: {  	s30 =	simm.s32 $0x80;
	s31 =	simm.s32 $0x1760;
	v27 =	vadd.f32 v61, v32;
	[tilespmem:s28+$0x10] =	vst v30;
	v30 =	vld.idx.msk [tilespmem:v55+s4+$0x0], $0xffff;
	(erf) = vpow2.f32 v63  }
.LBB2_2:
0x7c: {  	v32 =	vld [tilespmem:s31+$0x0];
	v28 =	vmul.f32 v28, v18;
	v33 =	vmul.f32 v26, v19  }
0x7d: {  	s29 =	sadd.s32 $0x40, s29;
	v34 =	vld [tilespmem:s31+$0xFFFFFFE0]  }
0x7e: {  	s30 =	sadd.s32 $0x40, s30;
	v29 =	vmul.f32 v29, v18;
	v35 =	vld [tilespmem:s29+$0xFFFFFFE0];
	v28 =	vadd.f32 v28, v33;
	v33 =	vmul.f32 v25, v19;
	v36 =	vpop (erf)  }
0x7f: {  	p0 =	slt.u32 s30, $0x10C0;
	v31 =	vmul.f32 v31, v18;
	v37 =	vld [tilespmem:s31+$0xFFFFFFF0];
	v38 =	vmul.f32 v36, v20;
	v27 =	vadd.f32 v36, v27;
	v20 =	vmovc v26  }
0x80: {  	v42 =	vmul.f32 v23, v19;
	s28 =	sadd.s32 $0x40, s28;
	v36 =	vld [tilespmem:s29+$0xFFFFFFF0];
	v26 =	vmul.f32 $9.999999770e-03, v28;
	v29 =	vadd.f32 v29, v33;
	v39 =	vpop (erf)  }
0x81: {  	v44 =	vmul.f32 v24, v19;
	v30 =	vmul.f32 v30, v18;
	v40 =	vld [tilespmem:s29+$0x0];
	[tilespmem:s28+$0xFFFFFFE0] =	vst v38;
	v27 =	vadd.f32 v39, v27  }
0x82: {  	v31 =	vadd.f32 v31, v42;
	v38 =	vld [tilespmem:s31+$0x10];
	v26 =	vmax.f32 v28, v26;
	v28 =	vmul.f32 $9.999999770e-03, v29;
	v33 =	vpop (erf)  }
0x83: {  	v39 =	vmul.f32 v39, v21;
	v21 =	vmovc v25;
	v42 =	vld [tilespmem:s29+$0x10];
	v43 =	vmul.f32 $1.442695020e+00, v26;
	v27 =	vadd.f32 v33, v27  }
0x84: {  	v30 =	vadd.f32 v30, v44;
	v32 =	vld.idx.msk [tilespmem:v32+s4+$0x0], $0xffff;
	v25 =	vmax.f32 v29, v28;
	v29 =	vmul.f32 $9.999999770e-03, v31;
	v41 =	vpop (erf)  }
0x85: {  	v26 =	vld.idx.msk [tilespmem:v34+s4+$0x0], $0xffff;
	v34 =	vmul.f32 $1.442695020e+00, v25;
	(erf) = vpow2.f32 v43;
	[tilespmem:s28+$0xFFFFFFF0] =	vst v39;
	v27 =	vadd.f32 v41, v27  }
0x86: {  	v33 =	vmul.f32 v33, v17;
	v17 =	vmovc v23;
	v28 =	vld.idx.msk [tilespmem:v35+s4+$0x0], $0xffff;
	v29 =	vmax.f32 v31, v29;
	v31 =	vmul.f32 $9.999999770e-03, v30  }
.Ltmp0:
0x87: {  	v25 =	vld.idx.msk [tilespmem:v37+s4+$0x0], $0xffff;
	v35 =	vmul.f32 $1.442695020e+00, v29;
	(erf) = vpow2.f32 v34;
	(pc) =	sbr.rel @p0 .LBB2_2-.Ltmp0, $4  }
0x88: {  	v29 =	vld.idx.msk [tilespmem:v36+s4+$0x0], $0xffff;
	v30 =	vmax.f32 v30, v31;
	[tilespmem:s28+$0x0] =	vst v33;
	v33 =	vmul.f32 v41, v22;
	v22 =	vmov v24  }
0x89: {  	v31 =	vld.idx.msk [tilespmem:v40+s4+$0x0], $0xffff;
	v34 =	vmul.f32 $1.442695020e+00, v30;
	(erf) = vpow2.f32 v35  }
0x8a: {  	v23 =	vmov v32;
	v24 =	vld.idx.msk [tilespmem:v38+s4+$0x0], $0xffff;
	[tilespmem:s28+$0x10] =	vst v33  }
0x8b: {  	s31 =	sadd.s32 $0x40, s31;
	v30 =	vld.idx.msk [tilespmem:v42+s4+$0x0], $0xffff;
	(erf) = vpow2.f32 v34  }
0x8c: {  	v28 =	vmul.f32 v28, v18;
	v32 =	vmul.f32 v26, v19;
	_ =	sdelay $0x1  }
0x8d: {  	v55 =	vmul.f32 v25, v19;
	v29 =	vmul.f32 v29, v18;
	v28 =	vadd.f32 v28, v32  }
0x8e: {  	v56 =	vmul.f32 v23, v19  }
0x8f: {  	v31 =	vmul.f32 v31, v18;
	v29 =	vadd.f32 v29, v55;
	v33 =	vmul.f32 $9.999999770e-03, v28  }
0x90: {  	v19 =	vmul.f32 v24, v19;
	v18 =	vmul.f32 v30, v18  }
0x91: {  	v31 =	vadd.f32 v31, v56;
	v30 =	vmul.f32 $9.999999770e-03, v29;
	v28 =	vmax.f32 v28, v33  }
0x92: {  	v28 =	vmul.f32 $1.442695020e+00, v28  }
0x93: {  	v18 =	vadd.f32 v18, v19;
	v29 =	vmax.f32 v29, v30;
	v30 =	vmul.f32 $9.999999770e-03, v31  }
0x94: {  	v19 =	vmul.f32 $1.442695020e+00, v29  }
0x95: {  	(erf) = vpow2.f32 v28;
	v29 =	vmax.f32 v31, v30;
	v30 =	vmul.f32 $9.999999770e-03, v18  }
0x96: {  	v29 =	vmul.f32 $1.442695020e+00, v29;
	v28 =	vpop (erf)  }
0x97: {  	v18 =	vmax.f32 v18, v30;
	v27 =	vadd.f32 v28, v27  }
0x98: {  	(erf) = vpow2.f32 v19;
	v19 =	vpop (erf);
	v18 =	vmul.f32 $1.442695020e+00, v18  }
0x99: {  	v27 =	vadd.f32 v19, v27  }
0x9a: {  	(erf) = vpow2.f32 v29;
	v29 =	vpop (erf)  }
0x9b: {  	(erf) = vpow2.f32 v18;
	v27 =	vadd.f32 v29, v27  }
0x9c: {  	v18 =	vpop (erf)  }
0x9d: {  	v20 =	vmul.f32 v28, v20;
	v27 =	vadd.f32 v18, v27  }
0x9e: {  	v17 =	vmul.f32 v29, v17;
	v28 =	vpop (erf)  }
0x9f: {  	s28 =	sadd.s32 $0x40, s28;
	v19 =	vmul.f32 v19, v21;
	v21 =	vadd.f32 v28, v27  }
0xa0: {  	[tilespmem:s28+$0x0] =	vst v17;
	v17 =	vmul.f32 v28, v26  }
0xa1: {  	[tilespmem:s28+$0xFFFFFFE0] =	vst v20;
	v18 =	vmul.f32 v18, v22;
	v20 =	vpop (erf)  }
0xa2: {  	s29 =	simm.s32 $0x10;
	s30 =	simm.s32 $0x0;
	[tilespmem:s28+$0xFFFFFFF0] =	vst v19;
	v19 =	vadd.f32 v20, v21  }
0xa3: {  	v22 =	vmov s30;
	[tilespmem:s28+$0x10] =	vst v18;
	s28 =	sadd.s32 $0x40, s28;
	v18 =	vmul.f32 v20, v25;
	v20 =	vmov s29;
	v21 =	vpop (erf)  }
0xa4: {  	[tilespmem:s28+$0xFFFFFFE0] =	vst v17;
	v20 =	vmul.u32 $0x11, v20;
	v19 =	vadd.f32 v21, v19;
	v17 =	vpop (erf);
	v21 =	vmul.f32 v21, v23  }
0xa5: {  	v22 =	vmul.u32 $0x11, v22;
	[tilespmem:s28+$0xFFFFFFF0] =	vst v18;
	v18 =	vmul.f32 v17, v24  }
0xa6: {  	v17 =	vadd.f32 v17, v19;
	[tilespmem:s28+$0x0] =	vst v21;
	v19 =	vbroadcast v20, $0x0  }
0xa7: {  	v20 =	vbroadcast v22, $0x0;
	[tilespmem:s28+$0x10] =	vst v18  }
0xa8: {  	[tilespmem:$0xB980] =	vst v17;
	v17 =	vadd.s32 v0, v19  }
0xa9: {  	v18 =	vadd.s32 v0, v20;
	[hbm4b:s17+s30] =	stream.linear.scatter [tilespmem:s18], [sflag:$0x2], $0x80, $0x38;
	[tilespmem:$0xBC00] =	vst v63  }
0xaa: {  	v21 =	vadd.s32 v1, v19;
	_ =	swait.ge [sflag:s19], $0x80  }
0xab: {  	v22 =	vadd.s32 v1, v20;
	[sflag:s19] =	ssyncset.done $0x0  }
0xac: {  	v23 =	vadd.s32 v2, v19;
	[sflag:s19] =	ssyncadd.s32 $0xFFFFFF80  }
0xad: {  	v24 =	vadd.s32 v2, v20;
	v17 =	vld.idx.msk [tilespmem:v17+s20+$0x0], $0xffff  }
0xae: {  	v25 =	vadd.s32 v3, v19;
	v18 =	vld.idx.msk [tilespmem:v18+s20+$0x0], $0xffff  }
0xaf: {  	v26 =	vadd.s32 v3, v20;
	v21 =	vld.idx.msk [tilespmem:v21+s20+$0x0], $0xffff  }
0xb0: {  	v27 =	vadd.s32 v4, v19;
	v22 =	vld.idx.msk [tilespmem:v22+s20+$0x0], $0xffff  }
0xb1: {  	v28 =	vadd.s32 v4, v20;
	v23 =	vld.idx.msk [tilespmem:v23+s20+$0x0], $0xffff  }
0xb2: {  	v29 =	vadd.s32 v5, v19;
	v24 =	vld.idx.msk [tilespmem:v24+s20+$0x0], $0xffff  }
0xb3: {  	v30 =	vadd.s32 v5, v20;
	v25 =	vld.idx.msk [tilespmem:v25+s20+$0x0], $0xffff  }
0xb4: {  	v31 =	vadd.s32 v6, v19;
	v26 =	vld.idx.msk [tilespmem:v26+s20+$0x0], $0xffff  }
0xb5: {  	v57 =	vadd.s32 v6, v20;
	v27 =	vld.idx.msk [tilespmem:v27+s20+$0x0], $0xffff  }
0xb6: {  	v58 =	vadd.s32 v7, v19;
	v28 =	vld.idx.msk [tilespmem:v28+s20+$0x0], $0xffff  }
0xb7: {  	v34 =	vadd.s32 v7, v20;
	v29 =	vld.idx.msk [tilespmem:v29+s20+$0x0], $0xffff  }
0xb8: {  	v35 =	vadd.s32 v8, v19;
	v30 =	vld.idx.msk [tilespmem:v30+s20+$0x0], $0xffff  }
0xb9: {  	v36 =	vadd.s32 v8, v20;
	v31 =	vld.idx.msk [tilespmem:v31+s20+$0x0], $0xffff  }
0xba: {  	v37 =	vadd.s32 v9, v19;
	v32 =	vld.idx.msk [tilespmem:v57+s20+$0x0], $0xffff  }
0xbb: {  	v38 =	vadd.s32 v9, v20;
	v33 =	vld.idx.msk [tilespmem:v58+s20+$0x0], $0xffff  }
0xbc: {  	v39 =	vadd.s32 v10, v19;
	v34 =	vld.idx.msk [tilespmem:v34+s20+$0x0], $0xffff  }
0xbd: {  	v41 =	vadd.s32 v11, v19;
	v35 =	vld.idx.msk [tilespmem:v35+s20+$0x0], $0xffff  }
0xbe: {  	v43 =	vadd.s32 v12, v19;
	v36 =	vld.idx.msk [tilespmem:v36+s20+$0x0], $0xffff  }
0xbf: {  	v44 =	vadd.s32 v12, v20;
	v37 =	vld.idx.msk [tilespmem:v37+s20+$0x0], $0xffff  }
0xc0: {  	v47 =	vadd.s32 v15, v19;
	v38 =	vld.idx.msk [tilespmem:v38+s20+$0x0], $0xffff;
	v17 =	vadd.f32 $0.0e+00, v17  }
0xc1: {  	v59 =	vadd.s32 v13, v19;
	v48 =	vadd.s32 v15, v20;
	v39 =	vld.idx.msk [tilespmem:v39+s20+$0x0], $0xffff;
	v18 =	vadd.f32 $0.0e+00, v18  }
0xc2: {  	s29 =	simm.s32 $0x20;
	v60 =	vadd.s32 v14, v19;
	v19 =	vadd.s32 v16, v19;
	v41 =	vld.idx.msk [tilespmem:v41+s20+$0x0], $0xffff;
	v17 =	vadd.f32 v21, v17  }
0xc3: {  	v46 =	vmov s29;
	v40 =	vadd.s32 v10, v20;
	v43 =	vld.idx.msk [tilespmem:v43+s20+$0x0], $0xffff;
	v18 =	vadd.f32 v22, v18  }
0xc4: {  	v46 =	vmul.u32 $0x11, v46;
	s28 =	simm.s32 $0x30;
	v44 =	vld.idx.msk [tilespmem:v44+s20+$0x0], $0xffff;
	v17 =	vadd.f32 v23, v17  }
0xc5: {  	v42 =	vadd.s32 v11, v20;
	v61 =	vld.idx.msk [tilespmem:v47+s20+$0x0], $0xffff;
	v18 =	vadd.f32 v24, v18;
	v24 =	vmov s28  }
0xc6: {  	v62 =	vld.idx.msk [tilespmem:v48+s20+$0x0], $0xffff;
	v22 =	vadd.s32 v13, v20;
	v24 =	vmul.u32 $0x11, v24;
	v25 =	vadd.f32 v25, v17  }
0xc7: {  	v45 =	vadd.s32 v14, v20;
	v19 =	vld.idx.msk [tilespmem:v19+s20+$0x0], $0xffff;
	v20 =	vadd.s32 v16, v20;
	v26 =	vadd.f32 v26, v18  }
0xc8: {  	v21 =	vld.idx.msk [tilespmem:v40+s20+$0x0], $0xffff;
	v17 =	vbroadcast v24, $0x0;
	v24 =	vadd.f32 v27, v25  }
0xc9: {  	v40 =	vld.idx.msk [tilespmem:v59+s20+$0x0], $0xffff;
	v18 =	vbroadcast v46, $0x0;
	v26 =	vadd.f32 v28, v26  }
0xca: {  	v23 =	vld.idx.msk [tilespmem:v42+s20+$0x0], $0xffff;
	v27 =	vadd.s32 v0, v17;
	v24 =	vadd.f32 v29, v24  }
0xcb: {  	v22 =	vld.idx.msk [tilespmem:v22+s20+$0x0], $0xffff;
	v29 =	vadd.s32 v0, v18;
	v26 =	vadd.f32 v30, v26  }
0xcc: {  	v20 =	vld.idx.msk [tilespmem:v20+s20+$0x0], $0xffff;
	v30 =	vadd.s32 v1, v17;
	v24 =	vadd.f32 v31, v24  }
0xcd: {  	v25 =	vld.idx.msk [tilespmem:v60+s20+$0x0], $0xffff;
	v31 =	vadd.s32 v1, v18;
	v26 =	vadd.f32 v32, v26  }
0xce: {  	v28 =	vld.idx.msk [tilespmem:v45+s20+$0x0], $0xffff;
	v63 =	vadd.s32 v2, v17;
	v24 =	vadd.f32 v33, v24  }
0xcf: {  	v46 =	vadd.s32 v2, v18;
	v27 =	vld.idx.msk [tilespmem:v27+s20+$0x0], $0xffff;
	v26 =	vadd.f32 v34, v26  }
0xd0: {  	v47 =	vadd.s32 v3, v17;
	v29 =	vld.idx.msk [tilespmem:v29+s20+$0x0], $0xffff;
	v24 =	vadd.f32 v35, v24  }
0xd1: {  	v48 =	vadd.s32 v3, v18;
	v30 =	vld.idx.msk [tilespmem:v30+s20+$0x0], $0xffff;
	v26 =	vadd.f32 v36, v26  }
0xd2: {  	v49 =	vadd.s32 v4, v17;
	v31 =	vld.idx.msk [tilespmem:v31+s20+$0x0], $0xffff;
	v24 =	vadd.f32 v37, v24  }
0xd3: {  	v50 =	vadd.s32 v4, v18;
	v32 =	vld.idx.msk [tilespmem:v63+s20+$0x0], $0xffff;
	v26 =	vadd.f32 v38, v26  }
0xd4: {  	v51 =	vadd.s32 v5, v17;
	v33 =	vld.idx.msk [tilespmem:v46+s20+$0x0], $0xffff;
	v27 =	vadd.f32 $0.0e+00, v27;
	v24 =	vadd.f32 v39, v24  }
0xd5: {  	v52 =	vadd.s32 v5, v18;
	v34 =	vld.idx.msk [tilespmem:v47+s20+$0x0], $0xffff;
	v21 =	vadd.f32 v21, v26;
	v26 =	vadd.f32 $0.0e+00, v29  }
0xd6: {  	v53 =	vadd.s32 v6, v17;
	v29 =	vld.idx.msk [tilespmem:v48+s20+$0x0], $0xffff;
	v27 =	vadd.f32 v30, v27;
	v24 =	vadd.f32 v41, v24  }
0xd7: {  	v36 =	vld.idx.msk [tilespmem:v49+s20+$0x0], $0xffff;
	v30 =	vadd.s32 v6, v18;
	v21 =	vadd.f32 v23, v21;
	v23 =	vadd.f32 v31, v26  }
0xd8: {  	v26 =	vld.idx.msk [tilespmem:v50+s20+$0x0], $0xffff;
	v31 =	vadd.s32 v7, v17;
	v27 =	vadd.f32 v32, v27;
	v24 =	vadd.f32 v43, v24  }
0xd9: {  	v58 =	vadd.s32 v8, v18;
	v55 =	vld.idx.msk [tilespmem:v51+s20+$0x0], $0xffff;
	v21 =	vadd.f32 v44, v21;
	v23 =	vadd.f32 v33, v23  }
0xda: {  	v54 =	vadd.s32 v7, v18;
	v56 =	vld.idx.msk [tilespmem:v52+s20+$0x0], $0xffff;
	v27 =	vadd.f32 v34, v27;
	v24 =	vadd.f32 v40, v24  }
0xdb: {  	v57 =	vadd.s32 v8, v17;
	v35 =	vld.idx.msk [tilespmem:v53+s20+$0x0], $0xffff;
	v21 =	vadd.f32 v22, v21;
	v22 =	vadd.f32 v29, v23  }
0xdc: {  	v29 =	vld.idx.msk [tilespmem:v30+s20+$0x0], $0xffff;
	v23 =	vadd.s32 v9, v17;
	v24 =	vadd.f32 v25, v24;
	v25 =	vadd.f32 v36, v27  }
0xdd: {  	v30 =	vld.idx.msk [tilespmem:v31+s20+$0x0], $0xffff;
	v27 =	vadd.s32 v9, v18;
	v21 =	vadd.f32 v28, v21;
	v22 =	vadd.f32 v26, v22  }
0xde: {  	v60 =	vld.idx.msk [tilespmem:v58+s20+$0x0], $0xffff;
	v28 =	vadd.s32 v10, v17;
	v24 =	vadd.f32 v61, v24;
	v25 =	vadd.f32 v55, v25  }
0xdf: {  	v31 =	vadd.s32 v10, v18;
	v26 =	vld.idx.msk [tilespmem:v54+s20+$0x0], $0xffff;
	v22 =	vadd.f32 v56, v22  }
0xe0: {  	v59 =	vld.idx.msk [tilespmem:v57+s20+$0x0], $0xffff;
	v61 =	vadd.s32 v11, v17;
	v19 =	vadd.f32 v19, v24;
	v24 =	vadd.f32 v35, v25  }
0xe1: {  	s28 =	simm.s32 $0x3890;
	v21 =	vadd.f32 v62, v21;
	v62 =	vadd.s32 v11, v18;
	v23 =	vld.idx.msk [tilespmem:v23+s20+$0x0], $0xffff;
	v25 =	vadd.f32 v29, v22  }
0xe2: {  	v22 =	vld.idx.msk [tilespmem:v27+s20+$0x0], $0xffff;
	[tilespmem:s28+$0x0] =	vst v19;
	v19 =	vadd.f32 v30, v24;
	v30 =	vadd.s32 v12, v17  }
0xe3: {  	v63 =	vadd.f32 v20, v21;
	v20 =	vld.idx.msk [tilespmem:v28+s20+$0x0], $0xffff;
	v28 =	vadd.s32 v12, v18  }
0xe4: {  	v21 =	vld.idx.msk [tilespmem:v31+s20+$0x0], $0xffff;
	v29 =	vadd.s32 v13, v17;
	v24 =	vadd.f32 v26, v25  }
0xe5: {  	s29 =	simm.s32 $0x40;
	v27 =	vadd.s32 v13, v18;
	v25 =	vadd.f32 v59, v19;
	v19 =	vld.idx.msk [tilespmem:v61+s20+$0x0], $0xffff  }
0xe6: {  	s30 =	simm.s32 $0x50;
	v32 =	vmov s29;
	s29 =	simm.s32 $0x60;
	v31 =	vadd.s32 v14, v17;
	[tilespmem:s28+$0xFFFFFFF0] =	vst v63;
	v26 =	vadd.f32 v60, v24;
	v24 =	vld.idx.msk [tilespmem:v62+s20+$0x0], $0xffff  }
.LBB2_4:
0xe7: {  	p0 =	slt.u32 s29, $0xE0;
	v33 =	vmov s30;
	v34 =	vadd.s32 v14, v18;
	v23 =	vadd.f32 v23, v25;
	v25 =	vld.idx.msk [tilespmem:v30+s20+$0x0], $0xffff  }
0xe8: {  	v30 =	vmul.u32 $0x11, v33;
	v22 =	vadd.f32 v22, v26;
	v26 =	vld.idx.msk [tilespmem:v28+s20+$0x0], $0xffff;
	v28 =	vadd.s32 v15, v17  }
0xe9: {  	v32 =	vmul.u32 $0x11, v32;
	v33 =	vadd.s32 v15, v18;
	v20 =	vadd.f32 v20, v23;
	v23 =	vld.idx.msk [tilespmem:v29+s20+$0x0], $0xffff  }
0xea: {  	v21 =	vadd.f32 v21, v22;
	v22 =	vld.idx.msk [tilespmem:v27+s20+$0x0], $0xffff;
	v27 =	vadd.s32 v16, v17;
	v17 =	vbroadcast v30, $0x0  }
0xeb: {  	v29 =	vadd.s32 v16, v18;
	v18 =	vbroadcast v32, $0x0;
	v19 =	vadd.f32 v19, v20;
	v20 =	vld.idx.msk [tilespmem:v31+s20+$0x0], $0xffff  }
0xec: {  	v30 =	vadd.s32 v0, v17;
	v21 =	vadd.f32 v24, v21;
	v24 =	vld.idx.msk [tilespmem:v34+s20+$0x0], $0xffff  }
0xed: {  	v31 =	vadd.s32 v0, v18;
	v19 =	vadd.f32 v25, v19;
	v25 =	vld.idx.msk [tilespmem:v28+s20+$0x0], $0xffff  }
0xee: {  	v28 =	vadd.s32 v1, v17;
	v21 =	vadd.f32 v26, v21;
	v26 =	vld.idx.msk [tilespmem:v33+s20+$0x0], $0xffff  }
0xef: {  	v32 =	vadd.s32 v1, v18;
	v19 =	vadd.f32 v23, v19;
	v23 =	vld.idx.msk [tilespmem:v27+s20+$0x0], $0xffff  }
0xf0: {  	v27 =	vadd.s32 v2, v17;
	v21 =	vadd.f32 v22, v21;
	v22 =	vld.idx.msk [tilespmem:v29+s20+$0x0], $0xffff  }
0xf1: {  	v29 =	vadd.s32 v2, v18;
	v30 =	vld.idx.msk [tilespmem:v30+s20+$0x0], $0xffff;
	v19 =	vadd.f32 v20, v19  }
0xf2: {  	v20 =	vld.idx.msk [tilespmem:v31+s20+$0x0], $0xffff;
	v31 =	vadd.s32 v3, v17;
	v21 =	vadd.f32 v24, v21  }
0xf3: {  	v24 =	vadd.s32 v3, v18;
	v28 =	vld.idx.msk [tilespmem:v28+s20+$0x0], $0xffff;
	v19 =	vadd.f32 v25, v19  }
0xf4: {  	v25 =	vld.idx.msk [tilespmem:v32+s20+$0x0], $0xffff;
	v32 =	vadd.s32 v4, v17;
	v21 =	vadd.f32 v26, v21  }
0xf5: {  	v26 =	vadd.s32 v4, v18;
	v27 =	vld.idx.msk [tilespmem:v27+s20+$0x0], $0xffff;
	v19 =	vadd.f32 v23, v19  }
0xf6: {  	s28 =	sadd.s32 $0x20, s28;
	v23 =	vld.idx.msk [tilespmem:v29+s20+$0x0], $0xffff;
	v29 =	vadd.s32 v5, v17;
	v21 =	vadd.f32 v22, v21  }
0xf7: {  	v22 =	vadd.s32 v5, v18;
	v30 =	vadd.f32 $0.0e+00, v30;
	v31 =	vld.idx.msk [tilespmem:v31+s20+$0x0], $0xffff;
	[tilespmem:s28+$0x0] =	vst v19  }
0xf8: {  	v19 =	vadd.f32 $0.0e+00, v20;
	v20 =	vld.idx.msk [tilespmem:v24+s20+$0x0], $0xffff;
	v24 =	vadd.s32 v6, v17;
	[tilespmem:s28+$0xFFFFFFF0] =	vst v21  }
0xf9: {  	v21 =	vadd.s32 v6, v18;
	v28 =	vadd.f32 v28, v30;
	v30 =	vld.idx.msk [tilespmem:v32+s20+$0x0], $0xffff  }
0xfa: {  	v19 =	vadd.f32 v25, v19;
	v25 =	vld.idx.msk [tilespmem:v26+s20+$0x0], $0xffff;
	v26 =	vadd.s32 v7, v17  }
0xfb: {  	v32 =	vadd.s32 v7, v18;
	v27 =	vadd.f32 v27, v28;
	v28 =	vld.idx.msk [tilespmem:v29+s20+$0x0], $0xffff  }
0xfc: {  	v19 =	vadd.f32 v23, v19;
	v23 =	vadd.s32 v8, v17;
	v22 =	vld.idx.msk [tilespmem:v22+s20+$0x0], $0xffff  }
0xfd: {  	v29 =	vadd.s32 v8, v18;
	v27 =	vadd.f32 v31, v27;
	v24 =	vld.idx.msk [tilespmem:v24+s20+$0x0], $0xffff  }
0xfe: {  	v19 =	vadd.f32 v20, v19;
	v20 =	vld.idx.msk [tilespmem:v21+s20+$0x0], $0xffff;
	v21 =	vadd.s32 v9, v17  }
0xff: {  	v31 =	vadd.s32 v9, v18;
	v27 =	vadd.f32 v30, v27;
	v26 =	vld.idx.msk [tilespmem:v26+s20+$0x0], $0xffff  }
0x100: {  	v19 =	vadd.f32 v25, v19;
	v25 =	vld.idx.msk [tilespmem:v32+s20+$0x0], $0xffff;
	v32 =	vadd.s32 v10, v17  }
0x101: {  	v33 =	vadd.s32 v10, v18;
	v27 =	vadd.f32 v28, v27;
	v34 =	vld.idx.msk [tilespmem:v23+s20+$0x0], $0xffff  }
0x102: {  	v36 =	vadd.s32 v11, v17;
	v19 =	vadd.f32 v22, v19;
	v35 =	vld.idx.msk [tilespmem:v29+s20+$0x0], $0xffff  }
0x103: {  	v37 =	vadd.s32 v11, v18;
	v24 =	vadd.f32 v24, v27;
	v23 =	vld.idx.msk [tilespmem:v21+s20+$0x0], $0xffff  }
.Ltmp1:
0x104: {  	v30 =	vadd.s32 v12, v17;
	v19 =	vadd.f32 v20, v19;
	v22 =	vld.idx.msk [tilespmem:v31+s20+$0x0], $0xffff;
	(pc) =	sbr.rel @p0 .LBB2_4-.Ltmp1, $4  }
0x105: {  	v28 =	vadd.s32 v12, v18;
	v24 =	vadd.f32 v26, v24;
	v20 =	vld.idx.msk [tilespmem:v32+s20+$0x0], $0xffff  }
0x106: {  	v29 =	vadd.s32 v13, v17;
	v26 =	vadd.f32 v25, v19;
	v21 =	vld.idx.msk [tilespmem:v33+s20+$0x0], $0xffff  }
0x107: {  	v27 =	vadd.s32 v13, v18;
	v25 =	vadd.f32 v34, v24;
	v19 =	vld.idx.msk [tilespmem:v36+s20+$0x0], $0xffff  }
0x108: {  	s30 =	sadd.s32 $0x10, s29;
	v31 =	vadd.s32 v14, v17;
	v32 =	vmov s29;
	s29 =	sadd.s32 $0x20, s29;
	v26 =	vadd.f32 v35, v26;
	v24 =	vld.idx.msk [tilespmem:v37+s20+$0x0], $0xffff  }
0x109: {  	_ =	sdelay $0x3  }
0x10a: {  	v34 =	vadd.s32 v14, v18;
	v30 =	vld.idx.msk [tilespmem:v30+s20+$0x0], $0xffff  }
0x10b: {  	v33 =	vmov s30;
	v28 =	vld.idx.msk [tilespmem:v28+s20+$0x0], $0xffff;
	v35 =	vadd.s32 v15, v17;
	v32 =	vmul.u32 $0x11, v32  }
0x10c: {  	v36 =	vadd.s32 v15, v18;
	v29 =	vld.idx.msk [tilespmem:v29+s20+$0x0], $0xffff;
	v33 =	vmul.u32 $0x11, v33  }
0x10d: {  	v27 =	vld.idx.msk [tilespmem:v27+s20+$0x0], $0xffff;
	v17 =	vadd.s32 v16, v17;
	v32 =	vbroadcast v32, $0x0  }
0x10e: {  	v18 =	vadd.s32 v16, v18;
	v31 =	vld.idx.msk [tilespmem:v31+s20+$0x0], $0xffff;
	v33 =	vbroadcast v33, $0x0  }
0x10f: {  	v38 =	vadd.s32 v0, v32;
	v34 =	vld.idx.msk [tilespmem:v34+s20+$0x0], $0xffff  }
0x110: {  	v37 =	vadd.s32 v0, v33;
	v35 =	vld.idx.msk [tilespmem:v35+s20+$0x0], $0xffff  }
0x111: {  	v40 =	vadd.s32 v1, v32;
	v36 =	vld.idx.msk [tilespmem:v36+s20+$0x0], $0xffff  }
0x112: {  	v39 =	vadd.s32 v1, v33;
	v17 =	vld.idx.msk [tilespmem:v17+s20+$0x0], $0xffff  }
0x113: {  	v42 =	vadd.s32 v2, v32;
	v18 =	vld.idx.msk [tilespmem:v18+s20+$0x0], $0xffff  }
0x114: {  	v41 =	vadd.s32 v2, v33;
	v38 =	vld.idx.msk [tilespmem:v38+s20+$0x0], $0xffff  }
0x115: {  	v44 =	vadd.s32 v3, v32;
	v37 =	vld.idx.msk [tilespmem:v37+s20+$0x0], $0xffff  }
0x116: {  	v43 =	vadd.s32 v3, v33;
	v40 =	vld.idx.msk [tilespmem:v40+s20+$0x0], $0xffff  }
0x117: {  	v46 =	vadd.s32 v4, v32;
	v39 =	vld.idx.msk [tilespmem:v39+s20+$0x0], $0xffff  }
0x118: {  	v45 =	vadd.s32 v4, v33;
	v42 =	vld.idx.msk [tilespmem:v42+s20+$0x0], $0xffff  }
0x119: {  	v48 =	vadd.s32 v5, v32;
	v41 =	vld.idx.msk [tilespmem:v41+s20+$0x0], $0xffff;
	v38 =	vadd.f32 $0.0e+00, v38  }
0x11a: {  	v47 =	vadd.s32 v5, v33;
	v44 =	vld.idx.msk [tilespmem:v44+s20+$0x0], $0xffff;
	v37 =	vadd.f32 $0.0e+00, v37  }
0x11b: {  	v63 =	vadd.s32 v6, v32;
	v43 =	vld.idx.msk [tilespmem:v43+s20+$0x0], $0xffff;
	v38 =	vadd.f32 v40, v38  }
0x11c: {  	v62 =	vadd.s32 v6, v33;
	v46 =	vld.idx.msk [tilespmem:v46+s20+$0x0], $0xffff;
	v37 =	vadd.f32 v39, v37  }
0x11d: {  	v53 =	vadd.s32 v7, v32;
	v45 =	vld.idx.msk [tilespmem:v45+s20+$0x0], $0xffff;
	v38 =	vadd.f32 v42, v38  }
0x11e: {  	v52 =	vadd.s32 v7, v33;
	v48 =	vld.idx.msk [tilespmem:v48+s20+$0x0], $0xffff;
	v37 =	vadd.f32 v41, v37  }
0x11f: {  	v55 =	vadd.s32 v8, v32;
	v47 =	vld.idx.msk [tilespmem:v47+s20+$0x0], $0xffff;
	v38 =	vadd.f32 v44, v38  }
0x120: {  	v54 =	vadd.s32 v8, v33;
	v40 =	vld.idx.msk [tilespmem:v63+s20+$0x0], $0xffff;
	v37 =	vadd.f32 v43, v37  }
0x121: {  	v57 =	vadd.s32 v9, v32;
	v39 =	vld.idx.msk [tilespmem:v62+s20+$0x0], $0xffff;
	v38 =	vadd.f32 v46, v38  }
0x122: {  	v56 =	vadd.s32 v9, v33;
	v42 =	vld.idx.msk [tilespmem:v53+s20+$0x0], $0xffff;
	v37 =	vadd.f32 v45, v37  }
0x123: {  	v59 =	vadd.s32 v10, v32;
	v41 =	vld.idx.msk [tilespmem:v52+s20+$0x0], $0xffff;
	v38 =	vadd.f32 v48, v38  }
0x124: {  	v58 =	vadd.s32 v10, v33;
	v44 =	vld.idx.msk [tilespmem:v55+s20+$0x0], $0xffff;
	v37 =	vadd.f32 v47, v37  }
0x125: {  	v61 =	vadd.s32 v11, v32;
	v43 =	vld.idx.msk [tilespmem:v54+s20+$0x0], $0xffff;
	v38 =	vadd.f32 v40, v38  }
0x126: {  	v60 =	vadd.s32 v11, v33;
	v46 =	vld.idx.msk [tilespmem:v57+s20+$0x0], $0xffff;
	v37 =	vadd.f32 v39, v37  }
0x127: {  	v63 =	vadd.s32 v12, v32;
	v45 =	vld.idx.msk [tilespmem:v56+s20+$0x0], $0xffff;
	v38 =	vadd.f32 v42, v38  }
0x128: {  	v23 =	vadd.f32 v23, v25;
	v25 =	vld.idx.msk [tilespmem:v59+s20+$0x0], $0xffff;
	v62 =	vadd.s32 v12, v33;
	v37 =	vadd.f32 v41, v37  }
0x129: {  	v22 =	vadd.f32 v22, v26;
	v50 =	vadd.s32 v13, v32;
	v47 =	vld.idx.msk [tilespmem:v58+s20+$0x0], $0xffff;
	v26 =	vadd.f32 v44, v38  }
0x12a: {  	v20 =	vadd.f32 v20, v23;
	v49 =	vadd.s32 v13, v33;
	v23 =	vld.idx.msk [tilespmem:v61+s20+$0x0], $0xffff;
	v37 =	vadd.f32 v43, v37  }
0x12b: {  	v21 =	vadd.f32 v21, v22;
	v39 =	vld.idx.msk [tilespmem:v60+s20+$0x0], $0xffff;
	v22 =	vadd.f32 v46, v26;
	v26 =	vadd.s32 v14, v32  }
0x12c: {  	v19 =	vadd.f32 v19, v20;
	v51 =	vadd.s32 v14, v33;
	v20 =	vld.idx.msk [tilespmem:v63+s20+$0x0], $0xffff;
	v37 =	vadd.f32 v45, v37  }
0x12d: {  	v21 =	vadd.f32 v24, v21;
	v24 =	vadd.s32 v15, v32;
	v41 =	vld.idx.msk [tilespmem:v62+s20+$0x0], $0xffff;
	v22 =	vadd.f32 v25, v22  }
0x12e: {  	v53 =	vld.idx.msk [tilespmem:v50+s20+$0x0], $0xffff;
	v52 =	vadd.s32 v15, v33;
	v37 =	vadd.f32 v47, v37  }
0x12f: {  	v21 =	vadd.f32 v28, v21;
	v25 =	vld.idx.msk [tilespmem:v49+s20+$0x0], $0xffff;
	v22 =	vadd.f32 v23, v22;
	v23 =	vadd.s32 v16, v32  }
0x130: {  	v19 =	vadd.f32 v30, v19;
	v33 =	vadd.s32 v16, v33;
	v30 =	vadd.f32 v39, v37;
	v26 =	vld.idx.msk [tilespmem:v26+s20+$0x0], $0xffff  }
0x131: {  	v21 =	vadd.f32 v27, v21;
	v28 =	vld.idx.msk [tilespmem:v51+s20+$0x0], $0xffff;
	v20 =	vadd.f32 v20, v22  }
0x132: {  	v19 =	vadd.f32 v29, v19;
	v22 =	vld.idx.msk [tilespmem:v24+s20+$0x0], $0xffff;
	v29 =	vadd.f32 v41, v30  }
0x133: {  	v21 =	vadd.f32 v34, v21;
	v27 =	vld.idx.msk [tilespmem:v52+s20+$0x0], $0xffff;
	v20 =	vadd.f32 v53, v20  }
0x134: {  	v19 =	vadd.f32 v31, v19;
	v24 =	vadd.f32 v25, v29;
	v23 =	vld.idx.msk [tilespmem:v23+s20+$0x0], $0xffff  }
0x135: {  	v21 =	vadd.f32 v36, v21;
	v25 =	vld.idx.msk [tilespmem:v33+s20+$0x0], $0xffff;
	v20 =	vadd.f32 v26, v20  }
0x136: {  	v19 =	vadd.f32 v35, v19;
	v24 =	vadd.f32 v28, v24  }
0x137: {  	v18 =	vadd.f32 v18, v21;
	v20 =	vadd.f32 v22, v20  }
0x138: {  	s28 =	sadd.s32 $0x20, s28;
	v17 =	vadd.f32 v17, v19;
	v19 =	vadd.f32 v27, v24  }
0x139: {  	[tilespmem:s28+$0xFFFFFFF0] =	vst v18;
	v18 =	vadd.f32 v23, v20  }
0x13a: {  	[tilespmem:s28+$0x0] =	vst v17;
	s28 =	sadd.s32 $0x20, s28;
	v17 =	vadd.f32 v25, v19  }
0x13b: {  	[tilespmem:s28+$0xFFFFFFF0] =	vst v18  }
0x13c: {  	[tilespmem:s28+$0x0] =	vst v17  }
0x13d: {  	s28 =	simm.s32 $0x0;
	[bflag:$0x0] =	sbarrier.arrive $0xFFFF  }
0x13e: {  	[tilespmem:s22], [sflag:$0x2] =	stream.linear.gather [hbm4b:s21+s28], $0x200, $0x38;
	[tilespmem:$0xBC00] =	vst v63  }
0x13f: {  	_ =	swait.ge [sflag:s19], $0x200  }
0x140: {  	[sflag:s19] =	ssyncset.done $0x0  }
0x141: {  	[sflag:s19] =	ssyncadd.s32 $0xFFFFFE00  }
0x142: {  	v17 =	vld [tilespmem:$0xBA00]  }
0x143: {  	v18 =	vld [tilespmem:$0xBA80];
	_ =	sdelay $0x1  }
0x144: {  	v19 =	vld [tilespmem:$0xBB00];
	_ =	sdelay $0x1  }
0x145: {  	v20 =	vld [tilespmem:$0xBB80]  }
0x146: {  	v17 =	vadd.f32 v18, v17;
	_ =	sdelay $0x1  }
0x147: {  	v17 =	vadd.f32 v19, v17;
	_ =	sdelay $0x1  }
0x148: {  	v17 =	vadd.f32 v20, v17;
	_ =	sdelay $0x1  }
0x149: {  	(xrf2) =	vadd.scan.msk.f32 $0xffff, v17;
	_ =	sdelay $0x9  }
0x14a: {  	v17, _, _ =	vpop (xrf2)  }
0x14b: {  	v17 =	vbroadcast v17, $0xF;
	_ =	sdelay $0x1  }
0x14c: {  	(erf) = vrcp.f32 v17;
	_ =	sdelay $0x1  }
0x14d: {  	v21 =	vld [tilespmem:$0x430]  }
0x14e: {  	v23 =	vld [tilespmem:$0x440]  }
0x14f: {  	s29 =	simm.s32 $0x1;
	v18 =	vld [tilespmem:$0x410]  }
0x150: {  	v19 =	vmov s29;
	v17 =	vld [tilespmem:$0x400]  }
0x151: {  	v20 =	vld [tilespmem:$0x420]  }
0x152: {  	v25 =	vld [tilespmem:$0x450]  }
0x153: {  	v26 =	vld [tilespmem:$0x460]  }
0x154: {  	v27 =	vld [tilespmem:$0x470];
	v28 =	vpop (erf)  }
0x155: {  	v22 =	vmov s28;
	v30 =	vld.idx.msk [tilespmem:v19+s23+$0x0], $0xffff;
	v17 =	vmul.f32 v28, v17  }
0x156: {  	v19 =	vmul.f32 v28, v18;
	v18 =	vand.u32 $0xFFFFFFFE, v22;
	v24 =	vmul.f32 v28, v20  }
0x157: {  	v22 =	vmul.f32 v28, v21;
	v29 =	vbroadcast v18, $0x0  }
0x158: {  	v20 =	vmul.f32 v25, v28;
	v21 =	vmul.f32 v26, v28  }
0x159: {  	v18 =	vmul.f32 v28, v23;
	v23 =	vmul.f32 v27, v28  }
0x15a: {  	v25 =	vmul.f32 v30, v17;
	v26 =	vmul.f32 v30, v20  }
0x15b: {  	s28 =	simm.s32 $0x3;
	v31 =	vmul.f32 v30, v19;
	v54 =	vmul.f32 v30, v24  }
0x15c: {  	v56 =	vmov s28;
	s29 =	simm.s32 $0x2;
	v55 =	vmul.f32 v30, v22;
	v28 =	vmul.f32 $9.999999770e-03, v25  }
0x15d: {  	v37 =	vmov s29;
	v61 =	vmul.f32 v30, v21;
	v57 =	vmul.f32 $9.999999770e-03, v31;
	v27 =	vld.idx.msk [tilespmem:v29+s23+$0x0], $0xffff  }
0x15e: {  	v28 =	vmax.f32 v25, v28;
	v25 =	vmul.f32 $9.999999770e-03, v26;
	v29 =	vmul.f32 v30, v18  }
0x15f: {  	s28 =	simm.s32 $0x3A00;
	v58 =	vmul.f32 $9.999999770e-03, v54;
	v31 =	vmax.f32 v31, v57;
	v30 =	vmul.f32 v30, v23  }
0x160: {  	v60 =	vmul.f32 $9.999999770e-03, v55;
	[tilespmem:s28+$0x10] =	vst v31;
	v26 =	vmax.f32 v26, v25;
	v59 =	vmul.f32 $9.999999770e-03, v29  }
0x161: {  	v32 =	vmax.f32 v54, v58;
	[tilespmem:s28+$0x50] =	vst v26;
	v26 =	vmul.f32 $9.999999770e-03, v61;
	v62 =	vmul.f32 $9.999999770e-03, v30  }
0x162: {  	v31 =	vmax.f32 v55, v60;
	[tilespmem:s28+$0x20] =	vst v32;
	v25 =	vmul.f32 v27, v17;
	v34 =	vmul.f32 v27, v24  }
0x163: {  	[tilespmem:s28+$0x30] =	vst v31;
	v26 =	vmax.f32 v61, v26;
	v33 =	vmul.f32 v27, v22;
	v31 =	vmul.f32 v27, v23  }
0x164: {  	v63 =	vmax.f32 v30, v62;
	v32 =	vmul.f32 v27, v21;
	[tilespmem:s28+$0x60] =	vst v26;
	v35 =	vmul.f32 v27, v19  }
0x165: {  	s30 =	simm.s32 $0x4;
	s29 =	simm.s32 $0x3A00;
	v29 =	vmax.f32 v29, v59;
	v26 =	vld.idx.msk [tilespmem:v56+s23+$0x0], $0xffff;
	v30 =	vmul.f32 v27, v18;
	[tilespmem:s28+$0x70] =	vst v63;
	v36 =	vmul.f32 $9.999999770e-03, v34  }
.LBB2_6:
0x166: {  	p0 =	slt.u32 s30, $0x7E  }
0x167: {  	v37 =	vand.u32 $0xFFFFFFFE, v37;
	v38 =	vmul.f32 $9.999999770e-03, v33;
	v39 =	vmul.f32 v27, v20;
	[tilespmem:s28+$0x0] =	vst v28;
	s29 =	sadd.s32 $0x100, s29;
	s31 =	smov.u32 s30;
	s30 =	sadd.s32 $0x2, s30  }
0x168: {  	v28 =	vmax.f32 v34, v36;
	v34 =	vmul.f32 $9.999999770e-03, v31;
	v27 =	vbroadcast v37, $0x0;
	[tilespmem:s28+$0x40] =	vst v29  }
0x169: {  	v29 =	vmul.f32 $9.999999770e-03, v35;
	[tilespmem:s28+$0xFFFFFFA0] =	vst v28;
	v28 =	vmax.f32 v33, v38;
	v33 =	vmul.f32 $9.999999770e-03, v32  }
0x16a: {  	v36 =	vmul.f32 $9.999999770e-03, v25;
	v31 =	vmax.f32 v31, v34;
	[tilespmem:s28+$0xFFFFFFB0] =	vst v28;
	v28 =	vmul.f32 $9.999999770e-03, v30  }
0x16b: {  	s0 =	sadd.s32 $0x1, s31;
	v34 =	vmul.f32 $9.999999770e-03, v39;
	v29 =	vmax.f32 v35, v29;
	v32 =	vmax.f32 v32, v33  }
0x16c: {  	v35 =	vmov s0;
	v33 =	vmul.f32 v26, v17;
	v37 =	vmul.f32 v26, v20;
	[tilespmem:s28+$0xFFFFFFF0] =	vst v31  }
0x16d: {  	v38 =	vmul.f32 v26, v24;
	v31 =	vmul.f32 v26, v19;
	v30 =	vmax.f32 v30, v28  }
0x16e: {  	v40 =	vmul.f32 v26, v22;
	v41 =	vmul.f32 v26, v18;
	v27 =	vld.idx.msk [tilespmem:v27+s23+$0x0], $0xffff;
	[tilespmem:s28+$0xFFFFFFE0] =	vst v32  }
0x16f: {  	v28 =	vmul.f32 $9.999999770e-03, v33;
	v32 =	vmul.f32 $9.999999770e-03, v31;
	[tilespmem:s28+$0xFFFFFF90] =	vst v29;
	v29 =	vmax.f32 v39, v34  }
0x170: {  	v25 =	vmax.f32 v25, v36;
	v34 =	vmul.f32 $9.999999770e-03, v38;
	v39 =	vmul.f32 $9.999999770e-03, v41;
	[tilespmem:s28+$0xFFFFFFD0] =	vst v29  }
0x171: {  	v28 =	vmax.f32 v33, v28;
	v29 =	vmax.f32 v31, v32;
	v31 =	vmul.f32 $9.999999770e-03, v37;
	[tilespmem:s28+$0xFFFFFF80] =	vst v25  }
0x172: {  	v36 =	vmul.f32 v26, v21;
	v32 =	vmul.f32 $9.999999770e-03, v40;
	[tilespmem:s29+$0x10] =	vst v29;
	v29 =	vmax.f32 v41, v39  }
0x173: {  	v26 =	vmul.f32 v26, v23;
	v38 =	vmax.f32 v38, v34;
	v31 =	vmax.f32 v37, v31;
	[tilespmem:s28+$0xFFFFFFC0] =	vst v30;
	s28 =	smov.u32 s29  }
.Ltmp2:
0x174: {  	v25 =	vmul.f32 v27, v17;
	v30 =	vmax.f32 v40, v32;
	v32 =	vmul.f32 $9.999999770e-03, v36;
	[tilespmem:s29+$0x50] =	vst v31;
	(pc) =	sbr.rel @p0 .LBB2_6-.Ltmp2, $4  }
0x175: {  	v34 =	vmul.f32 v27, v24;
	[tilespmem:s29+$0x30] =	vst v30;
	v30 =	vmul.f32 $9.999999770e-03, v26  }
0x176: {  	v33 =	vmul.f32 v27, v22;
	v31 =	vmul.f32 v27, v23;
	v37 =	vmax.f32 v36, v32;
	[tilespmem:s29+$0x20] =	vst v38  }
0x177: {  	v36 =	vmul.f32 $9.999999770e-03, v34;
	v32 =	vmul.f32 v27, v21;
	[tilespmem:s29+$0x60] =	vst v37;
	v38 =	vmax.f32 v26, v30  }
0x178: {  	v37 =	vmov s31;
	v30 =	vmul.f32 v27, v18;
	v26 =	vld.idx.msk [tilespmem:v35+s23+$0x0], $0xffff;
	v35 =	vmul.f32 v27, v19;
	[tilespmem:s29+$0x70] =	vst v38  }
0x179: {  	v37 =	vand.u32 $0xFFFFFFFE, v37;
	v38 =	vmul.f32 $9.999999770e-03, v33;
	[tilespmem:s28+$0x0] =	vst v28  }
0x17a: {  	v27 =	vmul.f32 v27, v20;
	v28 =	vmax.f32 v34, v36;
	[tilespmem:s28+$0x40] =	vst v29;
	v62 =	vmul.f32 $9.999999770e-03, v32  }
0x17b: {  	v61 =	vmul.f32 $9.999999770e-03, v31;
	v29 =	vbroadcast v37, $0x0;
	[tilespmem:s28+$0xFFFFFFA0] =	vst v28;
	v28 =	vmax.f32 v33, v38  }
0x17c: {  	v40 =	vmul.f32 $9.999999770e-03, v25;
	v32 =	vmax.f32 v32, v62;
	[tilespmem:s28+$0xFFFFFFB0] =	vst v28  }
0x17d: {  	v28 =	vmax.f32 v31, v61;
	v31 =	vmul.f32 $9.999999770e-03, v27;
	[tilespmem:s28+$0xFFFFFFE0] =	vst v32  }
0x17e: {  	v63 =	vmul.f32 $9.999999770e-03, v35;
	v25 =	vmax.f32 v25, v40;
	[tilespmem:s28+$0xFFFFFFF0] =	vst v28;
	v28 =	vmul.f32 v26, v19  }
0x17f: {  	[tilespmem:s28+$0xFFFFFF80] =	vst v25;
	v42 =	vmul.f32 v26, v20;
	v27 =	vmax.f32 v27, v31;
	v31 =	vmul.f32 $9.999999770e-03, v30  }
0x180: {  	v43 =	vmul.f32 $9.999999770e-03, v28;
	[tilespmem:s28+$0xFFFFFFD0] =	vst v27;
	v27 =	vmul.f32 v26, v24  }
0x181: {  	v44 =	vmul.f32 v26, v22;
	v46 =	vmul.f32 v26, v23;
	v29 =	vld.idx.msk [tilespmem:v29+s23+$0x0], $0xffff;
	v25 =	vmax.f32 v30, v31  }
0x182: {  	s29 =	sadd.s32 $0x100, s29;
	v30 =	vmul.f32 v26, v21;
	v28 =	vmax.f32 v28, v43;
	v31 =	vmul.f32 $9.999999770e-03, v27;
	[tilespmem:s28+$0xFFFFFFC0] =	vst v25  }
0x183: {  	v41 =	vmax.f32 v35, v63;
	v25 =	vmul.f32 v26, v17;
	[tilespmem:s29+$0x10] =	vst v28;
	v28 =	vmul.f32 $9.999999770e-03, v44  }
0x184: {  	[tilespmem:s28+$0xFFFFFF90] =	vst v41;
	v26 =	vmul.f32 v26, v18;
	v47 =	vmul.f32 $9.999999770e-03, v30;
	v27 =	vmax.f32 v27, v31  }
0x185: {  	v31 =	vmul.f32 $9.999999770e-03, v25;
	v28 =	vmax.f32 v44, v28;
	[tilespmem:s29+$0x20] =	vst v27  }
0x186: {  	v27 =	vmax.f32 v30, v47;
	v30 =	vmul.f32 $9.999999770e-03, v26;
	[tilespmem:s29+$0x30] =	vst v28;
	v48 =	vmul.f32 v29, v24  }
0x187: {  	v28 =	vmul.f32 $9.999999770e-03, v46;
	v49 =	vmul.f32 v29, v22;
	[tilespmem:s29+$0x60] =	vst v27;
	v25 =	vmax.f32 v25, v31  }
0x188: {  	v26 =	vmax.f32 v26, v30;
	[tilespmem:s29+$0x0] =	vst v25;
	v25 =	vmul.f32 v29, v19;
	v31 =	vmul.f32 $9.999999770e-03, v48  }
0x189: {  	v27 =	vmax.f32 v46, v28;
	v28 =	vmul.f32 v29, v23;
	v30 =	vmul.f32 $9.999999770e-03, v49;
	[tilespmem:s29+$0x40] =	vst v26  }
0x18a: {  	[tilespmem:s29+$0x70] =	vst v27;
	v27 =	vmul.f32 v29, v21;
	v52 =	vmul.f32 $9.999999770e-03, v25;
	v31 =	vmax.f32 v48, v31  }
0x18b: {  	v26 =	vmul.f32 v29, v20;
	v50 =	vmul.f32 $9.999999770e-03, v28;
	v30 =	vmax.f32 v49, v30;
	[tilespmem:s29+$0xFFFFFFA0] =	vst v31  }
0x18c: {  	v31 =	vmul.f32 $9.999999770e-03, v27;
	[tilespmem:s29+$0xFFFFFFB0] =	vst v30;
	v25 =	vmax.f32 v25, v52  }
0x18d: {  	v51 =	vmul.f32 v29, v17;
	v30 =	vmul.f32 $9.999999770e-03, v26;
	v28 =	vmax.f32 v28, v50;
	[tilespmem:s29+$0xFFFFFF90] =	vst v25  }
0x18e: {  	v45 =	vmul.f32 $9.999999770e-03, v42;
	v29 =	vmul.f32 v29, v18;
	v27 =	vmax.f32 v27, v31;
	[tilespmem:s29+$0xFFFFFFF0] =	vst v28  }
0x18f: {  	s0 =	simm.s32 $0x81;
	v28 =	vmul.f32 $9.999999770e-03, v51;
	v25 =	vmax.f32 v26, v30;
	[tilespmem:s29+$0xFFFFFFE0] =	vst v27  }
0x190: {  	v32 =	vmax.f32 v42, v45;
	v27 =	vmul.f32 $9.999999770e-03, v29;
	[tilespmem:s29+$0xFFFFFFD0] =	vst v25;
	v25 =	vmov s0  }
0x191: {  	[tilespmem:s29+$0x50] =	vst v32;
	v26 =	vmax.f32 v51, v28  }
0x192: {  	v27 =	vmax.f32 v29, v27;
	[tilespmem:s29+$0xFFFFFF80] =	vst v26  }
0x193: {  	s31 =	simm.s32 $0x80;
	[tilespmem:s29+$0xFFFFFFC0] =	vst v27  }
0x194: {  	[hbm4b:s8+s4] =	stream.linear.scatter [tilespmem:s24], [sflag:$0x1], $0x4000, $0x38;
	[tilespmem:$0xBC00] =	vst v63  }
0x195: {  	v26 =	vmov s31;
	v25 =	vld.idx.msk [tilespmem:v25+s23+$0x0], $0xffff  }
0x196: {  	v26 =	vand.u32 $0xFFFFFFFE, v26  }
0x197: {  	v26 =	vbroadcast v26, $0x0;
	_ =	sdelay $0x2  }
0x198: {  	v28 =	vmul.f32 v25, v17  }
0x199: {  	v30 =	vmul.f32 v25, v20;
	v29 =	vmul.f32 v25, v19  }
0x19a: {  	v31 =	vmul.f32 v25, v24;
	v53 =	vmul.f32 v25, v22  }
0x19b: {  	s31 =	simm.s32 $0x83;
	v27 =	vld.idx.msk [tilespmem:v26+s23+$0x0], $0xffff;
	v26 =	vmul.f32 v25, v18;
	v61 =	vmul.f32 v25, v21  }
0x19c: {  	v55 =	vmov s31;
	s31 =	simm.s32 $0x82;
	v54 =	vmul.f32 $9.999999770e-03, v28;
	v56 =	vmul.f32 $9.999999770e-03, v29  }
0x19d: {  	v37 =	vmov s31;
	v58 =	vmul.f32 $9.999999770e-03, v26;
	v59 =	vmul.f32 $9.999999770e-03, v30  }
0x19e: {  	s28 =	simm.s32 $0x7A70;
	v57 =	vmul.f32 $9.999999770e-03, v31;
	v60 =	vmul.f32 $9.999999770e-03, v53;
	v29 =	vmax.f32 v29, v56  }
0x19f: {  	[tilespmem:s28+$0xFFFFFFA0] =	vst v29;
	v29 =	vmax.f32 v26, v58;
	v26 =	vmax.f32 v30, v59;
	v30 =	vmul.f32 v25, v23  }
0x1a0: {  	v32 =	vmax.f32 v53, v60;
	v25 =	vmul.f32 v27, v17;
	[tilespmem:s28+$0xFFFFFFE0] =	vst v26;
	v26 =	vmul.f32 $9.999999770e-03, v61  }
0x1a1: {  	v36 =	vmax.f32 v31, v57;
	v34 =	vmul.f32 v27, v24;
	[tilespmem:s28+$0xFFFFFFC0] =	vst v32;
	v62 =	vmul.f32 $9.999999770e-03, v30  }
0x1a2: {  	v33 =	vmul.f32 v27, v22;
	v31 =	vmul.f32 v27, v23;
	[tilespmem:s28+$0xFFFFFFB0] =	vst v36;
	v26 =	vmax.f32 v61, v26  }
0x1a3: {  	v32 =	vmul.f32 v27, v21;
	v35 =	vmul.f32 v27, v19;
	[tilespmem:s28+$0xFFFFFFF0] =	vst v26;
	v63 =	vmax.f32 v30, v62  }
0x1a4: {  	s30 =	simm.s32 $0x84;
	s29 =	simm.s32 $0x7A70;
	v28 =	vmax.f32 v28, v54;
	v36 =	vmul.f32 $9.999999770e-03, v34;
	v26 =	vld.idx.msk [tilespmem:v55+s23+$0x0], $0xffff;
	v30 =	vmul.f32 v27, v18;
	[tilespmem:s28+$0x0] =	vst v63  }
.LBB2_8:
0x1a5: {  	p0 =	slt.u32 s30, $0xFE  }
0x1a6: {  	v37 =	vand.u32 $0xFFFFFFFE, v37;
	v38 =	vmul.f32 $9.999999770e-03, v33;
	v39 =	vmul.f32 v27, v20;
	[tilespmem:s28+$0xFFFFFF90] =	vst v28;
	s29 =	sadd.s32 $0x100, s29;
	s31 =	smov.u32 s30;
	s30 =	sadd.s32 $0x2, s30  }
0x1a7: {  	v28 =	vmax.f32 v34, v36;
	v34 =	vmul.f32 $9.999999770e-03, v31;
	v27 =	vbroadcast v37, $0x0;
	[tilespmem:s28+$0xFFFFFFD0] =	vst v29  }
0x1a8: {  	v29 =	vmul.f32 $9.999999770e-03, v35;
	[tilespmem:s28+$0xFFFFFF30] =	vst v28;
	v28 =	vmax.f32 v33, v38;
	v33 =	vmul.f32 $9.999999770e-03, v32  }
0x1a9: {  	v36 =	vmul.f32 $9.999999770e-03, v25;
	v31 =	vmax.f32 v31, v34;
	[tilespmem:s28+$0xFFFFFF40] =	vst v28;
	v28 =	vmul.f32 $9.999999770e-03, v30  }
0x1aa: {  	s0 =	sadd.s32 $0x1, s31;
	v34 =	vmul.f32 $9.999999770e-03, v39;
	v29 =	vmax.f32 v35, v29;
	v32 =	vmax.f32 v32, v33  }
0x1ab: {  	v35 =	vmov s0;
	v33 =	vmul.f32 v26, v17;
	v37 =	vmul.f32 v26, v20;
	[tilespmem:s28+$0xFFFFFF80] =	vst v31  }
0x1ac: {  	v38 =	vmul.f32 v26, v24;
	v31 =	vmul.f32 v26, v19;
	v30 =	vmax.f32 v30, v28  }
0x1ad: {  	v40 =	vmul.f32 v26, v22;
	v41 =	vmul.f32 v26, v18;
	v27 =	vld.idx.msk [tilespmem:v27+s23+$0x0], $0xffff;
	[tilespmem:s28+$0xFFFFFF70] =	vst v32  }
0x1ae: {  	v28 =	vmul.f32 $9.999999770e-03, v33;
	v32 =	vmul.f32 $9.999999770e-03, v31;
	[tilespmem:s28+$0xFFFFFF20] =	vst v29;
	v29 =	vmax.f32 v39, v34  }
0x1af: {  	v25 =	vmax.f32 v25, v36;
	v34 =	vmul.f32 $9.999999770e-03, v38;
	v39 =	vmul.f32 $9.999999770e-03, v41;
	[tilespmem:s28+$0xFFFFFF60] =	vst v29  }
0x1b0: {  	v28 =	vmax.f32 v33, v28;
	v29 =	vmax.f32 v31, v32;
	v31 =	vmul.f32 $9.999999770e-03, v37;
	[tilespmem:s28+$0xFFFFFF10] =	vst v25  }
0x1b1: {  	v36 =	vmul.f32 v26, v21;
	v32 =	vmul.f32 $9.999999770e-03, v40;
	[tilespmem:s29+$0xFFFFFFA0] =	vst v29;
	v29 =	vmax.f32 v41, v39  }
0x1b2: {  	v26 =	vmul.f32 v26, v23;
	v38 =	vmax.f32 v38, v34;
	v31 =	vmax.f32 v37, v31;
	[tilespmem:s28+$0xFFFFFF50] =	vst v30;
	s28 =	smov.u32 s29  }
.Ltmp3:
0x1b3: {  	v25 =	vmul.f32 v27, v17;
	v30 =	vmax.f32 v40, v32;
	v32 =	vmul.f32 $9.999999770e-03, v36;
	[tilespmem:s29+$0xFFFFFFE0] =	vst v31;
	(pc) =	sbr.rel @p0 .LBB2_8-.Ltmp3, $4  }
0x1b4: {  	v34 =	vmul.f32 v27, v24;
	[tilespmem:s29+$0xFFFFFFC0] =	vst v30;
	v30 =	vmul.f32 $9.999999770e-03, v26  }
0x1b5: {  	v33 =	vmul.f32 v27, v22;
	v31 =	vmul.f32 v27, v23;
	v37 =	vmax.f32 v36, v32;
	[tilespmem:s29+$0xFFFFFFB0] =	vst v38  }
0x1b6: {  	v36 =	vmul.f32 $9.999999770e-03, v34;
	v32 =	vmul.f32 v27, v21;
	[tilespmem:s29+$0xFFFFFFF0] =	vst v37;
	v38 =	vmax.f32 v26, v30  }
0x1b7: {  	v37 =	vmov s31;
	v30 =	vmul.f32 v27, v18;
	v26 =	vld.idx.msk [tilespmem:v35+s23+$0x0], $0xffff;
	v35 =	vmul.f32 v27, v19;
	[tilespmem:s29+$0x0] =	vst v38  }
0x1b8: {  	v38 =	vmul.f32 $9.999999770e-03, v33;
	[tilespmem:s28+$0xFFFFFF90] =	vst v28  }
0x1b9: {  	v37 =	vand.u32 $0xFFFFFFFE, v37;
	v48 =	vmax.f32 v34, v36;
	v49 =	vmul.f32 $9.999999770e-03, v31;
	[tilespmem:s28+$0xFFFFFFD0] =	vst v29  }
0x1ba: {  	v52 =	vmul.f32 $9.999999770e-03, v32;
	v50 =	vbroadcast v37, $0x0;
	[tilespmem:s28+$0xFFFFFF30] =	vst v48;
	v51 =	vmax.f32 v33, v38  }
0x1bb: {  	v57 =	vmul.f32 $9.999999770e-03, v25;
	v54 =	vmax.f32 v31, v49;
	[tilespmem:s28+$0xFFFFFF40] =	vst v51  }
0x1bc: {  	v27 =	vmul.f32 v27, v20;
	v53 =	vmul.f32 $9.999999770e-03, v35;
	v32 =	vmax.f32 v32, v52;
	[tilespmem:s28+$0xFFFFFF80] =	vst v54  }
0x1bd: {  	v61 =	vmul.f32 $9.999999770e-03, v30;
	v25 =	vmax.f32 v25, v57;
	[tilespmem:s28+$0xFFFFFF70] =	vst v32;
	v56 =	vmul.f32 v26, v19  }
0x1be: {  	v55 =	vmul.f32 $9.999999770e-03, v27;
	v58 =	vmax.f32 v35, v53;
	[tilespmem:s28+$0xFFFFFF10] =	vst v25;
	v59 =	vmul.f32 v26, v20  }
0x1bf: {  	v37 =	vmax.f32 v30, v61;
	[tilespmem:s28+$0xFFFFFF20] =	vst v58;
	v63 =	vmul.f32 v26, v24;
	v60 =	vmul.f32 $9.999999770e-03, v56  }
0x1c0: {  	v27 =	vmax.f32 v27, v55;
	v39 =	vmul.f32 v26, v21;
	[tilespmem:s28+$0xFFFFFF50] =	vst v37;
	v36 =	vmul.f32 $9.999999770e-03, v59;
	v29 =	vld.idx.msk [tilespmem:v50+s23+$0x0], $0xffff  }
0x1c1: {  	s29 =	sadd.s32 $0x100, s29;
	v41 =	vmul.f32 v26, v23;
	[tilespmem:s28+$0xFFFFFF60] =	vst v27;
	v40 =	vmul.f32 $9.999999770e-03, v63;
	v28 =	vmax.f32 v56, v60  }
0x1c2: {  	v42 =	vmul.f32 v26, v17;
	v43 =	vmul.f32 $9.999999770e-03, v39;
	v32 =	vmax.f32 v59, v36;
	[tilespmem:s29+$0xFFFFFFA0] =	vst v28  }
0x1c3: {  	v44 =	vmul.f32 v26, v18;
	v45 =	vmul.f32 $9.999999770e-03, v41;
	v27 =	vmax.f32 v63, v40;
	[tilespmem:s29+$0xFFFFFFE0] =	vst v32  }
0x1c4: {  	v62 =	vmul.f32 v26, v22;
	v46 =	vmul.f32 $9.999999770e-03, v42;
	v48 =	vmax.f32 v39, v43;
	[tilespmem:s29+$0xFFFFFFB0] =	vst v27  }
0x1c5: {  	v49 =	vmul.f32 $9.999999770e-03, v44;
	v51 =	vmax.f32 v41, v45;
	[tilespmem:s29+$0xFFFFFFF0] =	vst v48;
	v47 =	vmul.f32 v29, v24  }
0x1c6: {  	v38 =	vmul.f32 $9.999999770e-03, v62;
	v25 =	vmax.f32 v42, v46;
	[tilespmem:s29+$0x0] =	vst v51;
	v50 =	vmul.f32 v29, v22  }
0x1c7: {  	v26 =	vmax.f32 v44, v49;
	[tilespmem:s29+$0xFFFFFF90] =	vst v25;
	v52 =	vmul.f32 v29, v23;
	v53 =	vmul.f32 $9.999999770e-03, v47  }
0x1c8: {  	v28 =	vmax.f32 v62, v38;
	[tilespmem:s29+$0xFFFFFFD0] =	vst v26;
	v54 =	vmul.f32 v29, v21;
	v55 =	vmul.f32 $9.999999770e-03, v50  }
0x1c9: {  	[tilespmem:s29+$0xFFFFFFC0] =	vst v28;
	v19 =	vmul.f32 v29, v19;
	v56 =	vmul.f32 $9.999999770e-03, v52;
	v24 =	vmax.f32 v47, v53  }
0x1ca: {  	v17 =	vmul.f32 v29, v17;
	v58 =	vmul.f32 $9.999999770e-03, v54;
	v22 =	vmax.f32 v50, v55;
	[tilespmem:s29+$0xFFFFFF30] =	vst v24  }
0x1cb: {  	v18 =	vmul.f32 v29, v18;
	v59 =	vmul.f32 $9.999999770e-03, v19;
	v60 =	vmax.f32 v52, v56;
	[tilespmem:s29+$0xFFFFFF40] =	vst v22  }
0x1cc: {  	v57 =	vmul.f32 v29, v20;
	v62 =	vmul.f32 $9.999999770e-03, v17;
	v21 =	vmax.f32 v54, v58;
	[tilespmem:s29+$0xFFFFFF80] =	vst v60  }
0x1cd: {  	v63 =	vmul.f32 $9.999999770e-03, v18;
	v19 =	vmax.f32 v19, v59;
	[tilespmem:s29+$0xFFFFFF70] =	vst v21  }
0x1ce: {  	v61 =	vmul.f32 $9.999999770e-03, v57;
	v17 =	vmax.f32 v17, v62;
	[tilespmem:s29+$0xFFFFFF20] =	vst v19  }
0x1cf: {  	v18 =	vmax.f32 v18, v63;
	[tilespmem:s29+$0xFFFFFF10] =	vst v17  }
0x1d0: {  	v19 =	vmax.f32 v57, v61;
	[tilespmem:s29+$0xFFFFFF50] =	vst v18  }
0x1d1: {  	s26 =	sadd.s32 $0x1, s26;
	[tilespmem:s29+$0xFFFFFF60] =	vst v19  }
0x1d2: {  	[hbm4b:s9+s4] =	stream.linear.scatter [tilespmem:s25], [sflag:$0x1], $0x4000, $0x38;
	[tilespmem:$0xBC00] =	vst v63  }
0x1d3: {  	p0 =	sne.s32 s26, s10;
	_ =	swait.ge [sflag:s16], $0x4000  }
.Ltmp4:
0x1d4: {  	[sflag:s16] =	ssyncset.done $0x0;
	(pc) =	sbr.rel @p0 .LBB2_1-.Ltmp4, $4  }
0x1d5: {  	[sflag:s16] =	ssyncadd.s32 $0xFFFFC000  }
0x1d6: {  	_ =	swait.ge [sflag:s16], $0x4000  }
0x1d7: {  	[sflag:s16] =	ssyncset.done $0x0  }
0x1d8: {  	[sflag:s16] =	ssyncadd.s32 $0xFFFFC000  }
0x1d9: {  	_ =	sfence.sel $0x180000  }
0x1da: {  	[bflag:$0x0] =	sbarrier.arrive $0xFFFF  }
0x1db: {  	_ =	strace $0x90000047  }
0x1dc: {  	[bflag:$0x2] =	sbarrier.arrive $0xFFFF  }
0x1dd: {  	p0 =	sne.s32 s3, $0x0;
	s0 =	rddreg [dreg:$0x7]  }
0x1de: {  	s0 =	sadd.s32 @!p0 $0x100000, s0  }
0x1df: {  	[sflag:s0] =	ssyncadd.tile.s32 @!p0 $0x1;
	_ =	shalt  }
.Lfunc_end2:
_tile_overlayer_lowered:
.L_overlay_start_2:
0x1e0: {  	(tag) =	ssettag $0x2  }
0x1e1: {  	s0 =	rddreg [dreg:$0x0];
	s2 =	stileid.u32  }
0x1e2: {  	s1 =	rddreg [dreg:$0x1];
	p0 =	sne.s32 s2, $0x0  }
0x1e3: {  	s3 =	rddreg [dreg:$0x2];
	[bflag:$0x3] =	sbarrier.arrive $0xFFFF;
	s2 =	simm.s32 @!p0 $0x1C02  }
0x1e4: {  	[timem:s3], [sflag:s2] =	dma.local @!p0 [hbm:s0], s1  }
0x1e5: {  	s0 =	simm.s32 @!p0 $0x2  }
0x1e6: {  	_ =	swait.ge @!p0 [sflag:s0], s1  }
0x1e7: {  	s1 =	ssub.s32 @!p0 $0x0, s1;
	[sflag:s0] =	ssyncset.done @!p0 $0x0  }
0x1e8: {  	[sflag:s0] =	ssyncadd.s32 @!p0 s1  }
0x1e9: {  	[bflag:$0x3] =	sbarrier.arrive $0xFFFF  }
0x1ea: {  	_ =	shalt  }

</sc_bundles>
